<compile_context>
chip_gen: v7x
topology: tpu7x:2x2x1
jax: 0.10.2.dev20260603
libtpu: 0.0.44.dev20260713+nightly
codegen_flags: <defaults>
</compile_context>

<pallas_src>
import jax
import jax.numpy as jnp
from jax import lax
from jax.experimental import pallas as pl
from jax.experimental.pallas import tpu as pltpu
from jax.experimental.pallas import tpu_sc as plsc

def _dot16(a, b):
    return jnp.dot(a.astype(jnp.bfloat16), b.astype(jnp.bfloat16),
                   preferred_element_type=jnp.float32)


_G, _NPG, _N, _E = 10, 1000, 10000, 160000
_DH = 32
_NC, _NS = 2, 16
_NW = _NC * _NS
_RPT = 128
_ER = _E // _RPT
_ER_BASE = _ER // _NW
_ER_EXTRA = _ER - _ER_BASE * _NW


def _proj_body(lx_ref, feat_ref, emb_ref, lw_ref, lb_ref, rw_ref, rb_ref,
               lout_ref, rout_ref):
    lout_ref[...] = jax.nn.relu(_dot16(lx_ref[...], lw_ref[...]) + lb_ref[...])
    emb_proj = _dot16(emb_ref[...], rw_ref[...])
    feat = feat_ref[...]
    onehot = (lax.broadcasted_iota(jnp.int32, (feat.shape[0], 32), 1)
              == feat).astype(jnp.float32)
    rout_ref[...] = jax.nn.relu(
        jnp.dot(onehot, emb_proj, preferred_element_type=jnp.float32) + rb_ref[...])


def _run_proj(lig_x, feat, emb_pad, lw, lb, rw, rb):
    blk = 2000
    nb = _N // blk
    return pl.pallas_call(
        _proj_body,
        grid=(nb,),
        in_specs=[
            pl.BlockSpec((blk, 128), lambda i: (i, 0)),
            pl.BlockSpec((blk, 1), lambda i: (i, 0)),
            pl.BlockSpec((32, 64), lambda i: (0, 0)),
            pl.BlockSpec((128, 32), lambda i: (0, 0)),
            pl.BlockSpec((1, 32), lambda i: (0, 0)),
            pl.BlockSpec((64, 32), lambda i: (0, 0)),
            pl.BlockSpec((1, 32), lambda i: (0, 0)),
        ],
        out_specs=[pl.BlockSpec((blk, 32), lambda i: (i, 0)),
                   pl.BlockSpec((blk, 32), lambda i: (i, 0))],
        out_shape=[jax.ShapeDtypeStruct((_N, 32), jnp.float32),
                   jax.ShapeDtypeStruct((_N, 32), jnp.float32)],
    )(lig_x, feat, emb_pad, lw, lb, rw, rb)


def _gather_body(tbl_hbm, idx_hbm, out_hbm, idx_v, rows_v, sem):
    wid = lax.axis_index("s") * _NC + lax.axis_index("c")
    n_it = jnp.where(wid < _ER_EXTRA, _ER_BASE + 1, _ER_BASE)

    def step(t, _):
        j = wid + t * _NW
        pltpu.sync_copy(idx_hbm.at[j], idx_v)
        pltpu.async_copy(tbl_hbm.at[idx_v], rows_v, sem).wait()
        pltpu.sync_copy(rows_v, out_hbm.at[pl.ds(j * _RPT, _RPT)])
        return _

    lax.fori_loop(0, n_it, step, 0)


def _run_gather(tbl, idx2d):
    mesh = plsc.VectorSubcoreMesh(core_axis_name="c", subcore_axis_name="s")
    f = pl.kernel(
        _gather_body,
        out_type=jax.ShapeDtypeStruct((_E, 32), jnp.float32),
        mesh=mesh,
        scratch_types=[
            pltpu.VMEM((_RPT,), jnp.int32),
            pltpu.VMEM((_RPT, 32), jnp.float32),
            pltpu.SemaphoreType.DMA,
        ],
        compiler_params=pltpu.CompilerParams(use_tc_tiling_on_sc=False),
    )
    return f(tbl, idx2d)


def _msg_body(ea_ref, hs_ref, w1_ref, b1_ref, w2_ref, b2_ref, t_ref, out_ref):
    u = jax.nn.relu(_dot16(ea_ref[...], w1_ref[...]) + b1_ref[...])
    w = _dot16(u, w2_ref[...]) + b2_ref[...]
    hsb = _dot16(hs_ref[...], t_ref[...])
    p = w.astype(jnp.bfloat16).astype(jnp.float32) * hsb
    q = p[:, 0:512] + p[:, 512:1024]
    q = q[:, 0:256] + q[:, 256:512]
    q = q[:, 0:128] + q[:, 128:256]
    out_ref[...] = (q[:, 0:32] + q[:, 32:64]) + (q[:, 64:96] + q[:, 96:128])


def _run_msg(ea, hs, w1, b1, w2, b2, t0):
    blk = 2000
    nb = _E // blk
    return pl.pallas_call(
        _msg_body,
        grid=(nb,),
        in_specs=[
            pl.BlockSpec((blk, 16), lambda e: (e, 0)),
            pl.BlockSpec((blk, 32), lambda e: (e, 0)),
            pl.BlockSpec((16, 128), lambda e: (0, 0)),
            pl.BlockSpec((1, 128), lambda e: (0, 0)),
            pl.BlockSpec((128, 1024), lambda e: (0, 0)),
            pl.BlockSpec((1, 1024), lambda e: (0, 0)),
            pl.BlockSpec((32, 1024), lambda e: (0, 0)),
        ],
        out_specs=pl.BlockSpec((blk, 32), lambda e: (e, 0)),
        out_shape=jax.ShapeDtypeStruct((_E, 32), jnp.float32),
    )(ea, hs, w1, b1, w2, b2, t0)


def _scatter_body(msg_hbm, dst_hbm, zero_hbm, out_hbm, acc_sh, idx_v, rows_v):
    c = lax.axis_index("c")
    s = lax.axis_index("s")
    wid = s * _NC + c

    @pl.when(s == 0)
    def _():
        pltpu.sync_copy(zero_hbm, acc_sh)

    plsc.subcore_barrier()

    n_it = jnp.where(wid < _ER_EXTRA, _ER_BASE + 1, _ER_BASE)

    def step(t, _):
        j = wid + t * _NW
        pltpu.sync_copy(dst_hbm.at[j], idx_v)
        pltpu.sync_copy(msg_hbm.at[pl.ds(j * _RPT, _RPT)], rows_v)
        pltpu.sync_copy(rows_v, acc_sh.at[idx_v], add=True)
        return _

    lax.fori_loop(0, n_it, step, 0)
    plsc.subcore_barrier()

    rows = _N // _NS
    pltpu.sync_copy(acc_sh.at[pl.ds(s * rows, rows)],
                    out_hbm.at[c, pl.ds(s * rows, rows)])


def _run_scatter(msg, dst2d, zeros):
    mesh = plsc.VectorSubcoreMesh(core_axis_name="c", subcore_axis_name="s")
    f = pl.kernel(
        _scatter_body,
        out_type=jax.ShapeDtypeStruct((_NC, _N, 32), jnp.float32),
        mesh=mesh,
        scratch_types=[
            pltpu.VMEM_SHARED((_N, 32), jnp.float32),
            pltpu.VMEM((_RPT,), jnp.int32),
            pltpu.VMEM((_RPT, 32), jnp.float32),
        ],
        compiler_params=pltpu.CompilerParams(use_tc_tiling_on_sc=False),
    )
    return f(msg, dst2d, zeros)


def _gru_body(parts_ref, nnb_ref, h_ref, wi_ref, bi_ref, wh_ref, bh_ref, out_ref):
    agg = parts_ref[0] + parts_ref[1] + nnb_ref[...]
    m = jax.nn.relu(agg)
    h = h_ref[...]
    gi = _dot16(m, wi_ref[...]) + bi_ref[...]
    gh = _dot16(h, wh_ref[...]) + bh_ref[...]
    r = jax.nn.sigmoid(gi[:, 0:32] + gh[:, 0:32])
    z = jax.nn.sigmoid(gi[:, 32:64] + gh[:, 32:64])
    n = jnp.tanh(gi[:, 64:96] + r * gh[:, 64:96])
    out_ref[...] = (1.0 - z) * n + z * h


def _run_gru(parts, nnb, h, wi, bi, wh, bh):
    blk = 2000
    nb = _N // blk
    return pl.pallas_call(
        _gru_body,
        grid=(nb,),
        in_specs=[
            pl.BlockSpec((2, blk, 32), lambda b: (0, b, 0)),
            pl.BlockSpec((1, 32), lambda b: (0, 0)),
            pl.BlockSpec((blk, 32), lambda b: (b, 0)),
            pl.BlockSpec((32, 96), lambda b: (0, 0)),
            pl.BlockSpec((1, 96), lambda b: (0, 0)),
            pl.BlockSpec((32, 96), lambda b: (0, 0)),
            pl.BlockSpec((1, 96), lambda b: (0, 0)),
        ],
        out_specs=pl.BlockSpec((blk, 32), lambda b: (b, 0)),
        out_shape=jax.ShapeDtypeStruct((_N, 32), jnp.float32),
    )(parts, nnb, h, wi, bi, wh, bh)


def _atn_body(lig_ref, rec_ref, wq_ref, bq_ref, wk_ref, bk_ref, wv_ref, bv_ref,
              wo_ref, bo_ref, cw_ref, cb_ref, rw_ref, rb_ref, lw_ref, lb_ref,
              out_ref):
    lig = lig_ref[...]
    rec = rec_ref[...]
    q = _dot16(lig, wq_ref[...]) + bq_ref[...]
    k = _dot16(rec, wk_ref[...]) + bk_ref[...]
    v = _dot16(rec, wv_ref[...]) + bv_ref[...]
    scores = lax.dot_general(q.astype(jnp.bfloat16), k.astype(jnp.bfloat16),
                             (((1,), (1,)), ((), ())),
                             preferred_element_type=jnp.float32) * (1.0 / (_DH ** 0.5))
    mx = jnp.max(scores, axis=1, keepdims=True)
    ex = jnp.exp(scores - mx)
    a = ex / jnp.sum(ex, axis=1, keepdims=True)
    av = _dot16(a, v)
    atn = _dot16(av, wo_ref[...]) + bo_ref[...]
    cat = jnp.concatenate([lig, atn], axis=1)
    lcomb = _dot16(cat, cw_ref[...]) + cb_ref[...]
    wr = jax.nn.sigmoid(_dot16(rec, rw_ref[...]) + rb_ref[...])
    hs_rec = jnp.sum(wr * rec, axis=0, keepdims=True)
    hm_rec = jnp.max(rec, axis=0, keepdims=True)
    wl = jax.nn.sigmoid(_dot16(lcomb, lw_ref[...]) + lb_ref[...])
    hs_lig = jnp.sum(wl * lcomb, axis=0, keepdims=True)
    hm_lig = jnp.max(lcomb, axis=0, keepdims=True)
    out_ref[0] = jnp.concatenate([hs_rec, hm_rec, hs_lig, hm_lig], axis=1)


def _run_atn(hid_lig, hid_rec, wqt, bq, wkt, bk, wvt, bv, wot, bo, cw, cb,
             rw, rb, lw, lb):
    small = lambda shape: pl.BlockSpec(shape, lambda g: tuple(0 for _ in shape))
    return pl.pallas_call(
        _atn_body,
        grid=(_G,),
        in_specs=[
            pl.BlockSpec((_NPG, 32), lambda g: (g, 0)),
            pl.BlockSpec((_NPG, 32), lambda g: (g, 0)),
            small((32, 32)), small((1, 32)),
            small((32, 32)), small((1, 32)),
            small((32, 32)), small((1, 32)),
            small((32, 32)), small((1, 32)),
            small((64, 32)), small((1, 32)),
            small((32, 1)), small((1, 1)),
            small((32, 1)), small((1, 1)),
        ],
        out_specs=pl.BlockSpec((1, 1, 128), lambda g: (g, 0, 0)),
        out_shape=jax.ShapeDtypeStruct((_G, 1, 128), jnp.float32),
    )(hid_lig, hid_rec, wqt, bq, wkt, bk, wvt, bv, wot, bo, cw, cb, rw, rb, lw, lb)


def _mlp_body(x_ref, w1_ref, b1_ref, w2_ref, b2_ref, wo_ref, bo_ref, out_ref):
    x = _dot16(x_ref[...], w1_ref[...]) + b1_ref[...]
    x = jnp.where(x > 0, x, 0.01 * x)
    x = _dot16(x, w2_ref[...]) + b2_ref[...]
    x = jnp.where(x > 0, x, 0.01 * x)
    out_ref[...] = _dot16(x, wo_ref[...]) + bo_ref[...]


def _run_mlp(x, w1, b1, w2, b2, wo, bo):
    return pl.pallas_call(
        _mlp_body,
        out_shape=jax.ShapeDtypeStruct((_G, 1), jnp.float32),
    )(x, w1, b1, w2, b2, wo, bo)


def kernel(lig_x, lig_edge_index, lig_edge_attr, rec_feat, rec_edge_index,
           rec_edge_attr, params):
    pg, pr = params['lig_gnn'], params['rec_gnn']
    f32 = jnp.float32

    emb_pad = jnp.zeros((32, 64), f32).at[:21].set(params['rec_embed'])
    h_lig, h_rec = _run_proj(lig_x, rec_feat, emb_pad,
                             pg['proj_W'], pg['proj_b'].reshape(1, 32),
                             pr['proj_W'], pr['proj_b'].reshape(1, 32))

    src_lig = lig_edge_index[0].reshape(_ER, _RPT)
    dst_lig = lig_edge_index[1].reshape(_ER, _RPT)
    src_rec = rec_edge_index[0].reshape(_ER, _RPT)
    dst_rec = rec_edge_index[1].reshape(_ER, _RPT)

    hsrc_lig = _run_gather(h_lig, src_lig)
    hsrc_rec = _run_gather(h_rec, src_rec)

    t0 = jnp.repeat(jnp.eye(32, dtype=f32), 32, axis=1)
    msg_lig = _run_msg(lig_edge_attr, hsrc_lig,
                       pg['eW1'], pg['eb1'].reshape(1, 128),
                       pg['eW2'], pg['eb2'].reshape(1, 1024), t0)
    msg_rec = _run_msg(rec_edge_attr, hsrc_rec,
                       pr['eW1'], pr['eb1'].reshape(1, 128),
                       pr['eW2'], pr['eb2'].reshape(1, 1024), t0)

    zeros = jnp.zeros((_N, 32), f32)
    parts_lig = _run_scatter(msg_lig, dst_lig, zeros)
    parts_rec = _run_scatter(msg_rec, dst_rec, zeros)

    hid_lig = _run_gru(parts_lig, pg['nn_bias'].reshape(1, 32), h_lig,
                       pg['gru_Wi'], pg['gru_bi'].reshape(1, 96),
                       pg['gru_Wh'], pg['gru_bh'].reshape(1, 96))
    hid_rec = _run_gru(parts_rec, pr['nn_bias'].reshape(1, 32), h_rec,
                       pr['gru_Wi'], pr['gru_bi'].reshape(1, 96),
                       pr['gru_Wh'], pr['gru_bh'].reshape(1, 96))

    a = params['atn']
    feats = _run_atn(
        hid_lig, hid_rec,
        a['Wq'].T, a['bq'].reshape(1, 32), a['Wk'].T, a['bk'].reshape(1, 32),
        a['Wv'].T, a['bv'].reshape(1, 32), a['Wo'].T, a['bo'].reshape(1, 32),
        params['comb_W'], params['comb_b'].reshape(1, 32),
        params['rec_ro_W'], params['rec_ro_b'].reshape(1, 1),
        params['lig_ro_W'], params['lig_ro_b'].reshape(1, 1),
    )

    m = params['mlp']
    return _run_mlp(feats.reshape(_G, 128),
                    m['W1'], m['b1'].reshape(1, 256),
                    m['W2'], m['b2'].reshape(1, 128),
                    m['Wo'], m['bo'].reshape(1, 1))

# --- scband reference (transcript-rebuilt; emitter-appended) ---
"""Pipeline reference for scband-gnnbind-model-34952443855070 (READ-ONLY COPY).

The authoritative reference and input builder live on the scoring server;
editing this copy changes nothing except your own understanding.
"""

import jax, jax.numpy as jnp
import numpy as np

G = 10
NPG = 1000
N = 10000
E = 160000
D_LIG_IN = 128
D_E = 16
D_H = 32
D_EH = 128
EMB = 64
VOCAB = 21
STEPS = 1

def _norm(k, shape, fan):
    return jax.random.normal(k, shape, dtype=jnp.float32) / np.sqrt(float(fan))

def _init_mpnn(key, d_in, d_e, d_out, d_eh):
    ks = jax.random.split(key, 5)
    return {
        'proj_W': _norm(ks[0], (d_in, d_out), d_in),
        'proj_b': jnp.zeros((d_out,), jnp.float32),
        'eW1': _norm(ks[1], (d_e, d_eh), d_e),
        'eb1': jnp.zeros((d_eh,), jnp.float32),
        'eW2': _norm(ks[2], (d_eh, d_out * d_out), d_eh),
        'eb2': jnp.zeros((d_out * d_out,), jnp.float32),
        'nn_bias': jnp.zeros((d_out,), jnp.float32),
        'gru_Wi': _norm(ks[3], (d_out, 3 * d_out), d_out),
        'gru_bi': jnp.zeros((3 * d_out,), jnp.float32),
        'gru_Wh': _norm(ks[4], (d_out, 3 * d_out), d_out),
        'gru_bh': jnp.zeros((3 * d_out,), jnp.float32),
    }

def _init_params(key):
    ks = jax.random.split(key, 12)
    return {
        'rec_embed': jax.random.normal(ks[0], (VOCAB, EMB), dtype=jnp.float32),
        'lig_gnn': _init_mpnn(ks[1], D_LIG_IN, D_E, D_H, D_EH),
        'rec_gnn': _init_mpnn(ks[2], EMB, D_E, D_H, D_EH),
        'atn': {
            'Wq': _norm(ks[3], (D_H, D_H), D_H), 'bq': jnp.zeros((D_H,), jnp.float32),
            'Wk': _norm(ks[4], (D_H, D_H), D_H), 'bk': jnp.zeros((D_H,), jnp.float32),
            'Wv': _norm(ks[5], (D_H, D_H), D_H), 'bv': jnp.zeros((D_H,), jnp.float32),
            'Wo': _norm(ks[6], (D_H, D_H), D_H), 'bo': jnp.zeros((D_H,), jnp.float32),
        },
        'comb_W': _norm(ks[7], (2 * D_H, D_H), 2 * D_H),
        'comb_b': jnp.zeros((D_H,), jnp.float32),
        'rec_ro_W': _norm(ks[8], (D_H, 1), D_H), 'rec_ro_b': jnp.zeros((1,), jnp.float32),
        'lig_ro_W': _norm(ks[9], (D_H, 1), D_H), 'lig_ro_b': jnp.zeros((1,), jnp.float32),
        'mlp': {
            'W1': _norm(ks[10], (4 * D_H, 256), 4 * D_H), 'b1': jnp.zeros((256,), jnp.float32),
            'W2': _norm(ks[11], (256, 128), 256), 'b2': jnp.zeros((128,), jnp.float32),
            'Wo': _norm(jax.random.fold_in(key, 99), (128, 1), 128), 'bo': jnp.zeros((1,), jnp.float32),
        },
    }

def setup_inputs(seed: int = 0):
    key = jax.random.key(seed)
    ks = jax.random.split(key, 8)
    lig_x = jax.random.normal(ks[0], (N, D_LIG_IN), dtype=jnp.float32)
    lig_edge_index = jax.random.randint(ks[1], (2, E), 0, N).astype(jnp.int32)
    lig_edge_attr = jax.random.uniform(ks[2], (E, D_E), dtype=jnp.float32)
    rec_feat = jax.random.randint(ks[3], (N, 1), 0, VOCAB).astype(jnp.int32)
    rec_edge_index = jax.random.randint(ks[4], (2, E), 0, N).astype(jnp.int32)
    rec_edge_attr = jax.random.uniform(ks[5], (E, D_E), dtype=jnp.float32)
    params = _init_params(ks[6])
    return {'lig_x': lig_x, 'lig_edge_index': lig_edge_index, 'lig_edge_attr': lig_edge_attr,
            'rec_feat': rec_feat, 'rec_edge_index': rec_edge_index, 'rec_edge_attr': rec_edge_attr,
            'params': params}

def _gru_cell(m, h, p):
    gi = m @ p['gru_Wi'] + p['gru_bi']
    gh = h @ p['gru_Wh'] + p['gru_bh']
    i_r, i_z, i_n = jnp.split(gi, 3, axis=-1)
    h_r, h_z, h_n = jnp.split(gh, 3, axis=-1)
    r = jax.nn.sigmoid(i_r + h_r)
    z = jax.nn.sigmoid(i_z + h_z)
    n = jnp.tanh(i_n + r * h_n)
    return (1.0 - z) * n + z * h

def _mpnn(p, x, edge_index, eattr, n_nodes):
    # dgllife MPNNGNN: project -> [NNConv(sum) + ReLU + GRU] x STEPS
    h = jax.nn.relu(x @ p['proj_W'] + p['proj_b'])
    hidden = h
    src, dst = edge_index[0], edge_index[1]
    for _ in range(STEPS):
        ew = jax.nn.relu(eattr @ p['eW1'] + p['eb1']) @ p['eW2'] + p['eb2']
        W = ew.reshape(-1, D_H, D_H)
        msg = jnp.einsum('ei,eio->eo', h[src], W)
        agg = jnp.zeros((n_nodes, D_H), jnp.float32).at[dst].add(msg) + p['nn_bias']
        m = jax.nn.relu(agg)
        hidden = _gru_cell(m, hidden, p)
        h = hidden
    return h

def _mha(q_in, kv_in, p):
    # torch nn.MultiheadAttention, 1 head, kdim=vdim=rec_sz, unbatched 2D input
    q = q_in @ p['Wq'].T + p['bq']
    k = kv_in @ p['Wk'].T + p['bk']
    v = kv_in @ p['Wv'].T + p['bv']
    scores = (q @ k.T) / np.sqrt(float(D_H))
    a = jax.nn.softmax(scores, axis=-1)
    return (a @ v) @ p['Wo'].T + p['bo']

def _weighted_sum_and_max(h, W, b):
    w = jax.nn.sigmoid(h @ W + b)
    hs = (w * h).reshape(G, NPG, -1).sum(axis=1)
    hm = h.reshape(G, NPG, -1).max(axis=1)
    return jnp.concatenate([hs, hm], axis=-1)

def _forward(lig_x, lig_edge_attr, rec_edge_attr, params, lig_edge_index, rec_edge_index, rec_feat):
    rec_hid = params['rec_embed'][rec_feat[:, 0]]
    lig_hid = lig_x
    rec_hid = _mpnn(params['rec_gnn'], rec_hid, rec_edge_index, rec_edge_attr, N)
    lig_hid = _mpnn(params['lig_gnn'], lig_hid, lig_edge_index, lig_edge_attr, N)
    atn_list = []
    for g in range(G):
        qh = lig_hid[g * NPG:(g + 1) * NPG]
        kv = rec_hid[g * NPG:(g + 1) * NPG]
        atn_list.append(_mha(qh, kv, params['atn']))
    comb_atn = jnp.concatenate(atn_list, axis=0)
    lig_hid = jnp.concatenate([lig_hid, comb_atn], axis=-1) @ params['comb_W'] + params['comb_b']
    rec_ro = _weighted_sum_and_max(rec_hid, params['rec_ro_W'], params['rec_ro_b'])
    lig_ro = _weighted_sum_and_max(lig_hid, params['lig_ro_W'], params['lig_ro_b'])
    x = jnp.concatenate([rec_ro, lig_ro], axis=-1)
    mlp = params['mlp']
    x = jax.nn.leaky_relu(x @ mlp['W1'] + mlp['b1'], 0.01)
    x = jax.nn.leaky_relu(x @ mlp['W2'] + mlp['b2'], 0.01)
    return x @ mlp['Wo'] + mlp['bo']

def reference(lig_x, lig_edge_index, lig_edge_attr, rec_feat, rec_edge_index, rec_edge_attr, params):
    return _forward(lig_x, lig_edge_attr, rec_edge_attr, params, lig_edge_index, rec_edge_index, rec_feat)

if __name__ == "__main__":
    import jax
    _d = setup_inputs()
    print(jax.jit(kernel)(*tuple(_d.values())))

</pallas_src>

<mosaic_0001>
#map = affine_map<(d0, d1) -> (0, 0)>
module attributes {stable_mosaic.version = 14 : i64} {
  func.func @_gather_body(%arg0: i32, %arg1: i32, %arg2: memref<10000x32xf32, #tpu.memory_space<hbm>>, %arg3: memref<1250x128xi32, #tpu.memory_space<hbm>>, %arg4: memref<160000x32xf32, #tpu.memory_space<hbm>>, %arg5: memref<128xi32, #tpu.memory_space<vmem>>, %arg6: memref<128x32xf32, #tpu.memory_space<vmem>>, %arg7: memref<!tpu.dma_semaphore, #tpu.memory_space<semaphore_mem>>) attributes {dimension_semantics = [#tpu.dimension_semantics<core_parallel>, #tpu.dimension_semantics<subcore_parallel>], iteration_bounds = array<i64: 2, 16>, scalar_prefetch = 0 : i64, scratch_operands = 3 : i64, tpu.core_type = #tpu.core_type<sc_vector_subcore>, window_params = [{transform_indices = #map}, {transform_indices = #map}, {transform_indices = #map}]} {
    %mul3A = arith.constant 2 : i32
    %mul3A_0 = arith.muli %arg1, %mul3A : i32
    %add3A = arith.addi %mul3A_0, %arg0 : i32
    %lt3A = arith.constant 2 : i32
    %lt3A_1 = arith.cmpi slt, %add3A, %lt3A : i32
    %jit3A = arith.constant 40 : i32
    %jit3A_2 = arith.constant 39 : i32
    %select_n3A = arith.select %lt3A_1, %jit3A, %jit3A_2 : i32
    %while3A = arith.constant 0 : i32
    %while3A_3 = arith.constant 0 : i32
    %while3A_4 = arith.subi %select_n3A, %while3A_3 : i32
    %while3A_5 = arith.addi %while3A_3, %while3A_4 : i32
    %while3A_6 = arith.constant 1 : i32
    %while3A_7 = arith.divsi %while3A_4, %while3A_6 : i32
    %while3A_8 = arith.muli %while3A_7, %while3A_6 : i32
    %while3A_9 = arith.addi %while3A_3, %while3A_8 : i32
    %while3A_10 = arith.constant 1 : i32
    scf.for %while3A_12 = %while3A_3 to %while3A_9 step %while3A_10  : i32 {
      %mul3A_13 = arith.constant 32 : i32
      %mul3A_14 = arith.muli %while3A_12, %mul3A_13 : i32
      %add3A_15 = arith.addi %add3A, %mul3A_14 : i32
      "tpu.region"() ({
        %run_scoped3A = tpu.sem_alloc : memref<!tpu.dma_semaphore, #tpu.memory_space<semaphore_mem>>
        %dma_start3A_22 = arith.constant 0 : i32
        %dma_start3A_23 = tpu.memref_slice %arg3[%add3A_15, %dma_start3A_22] : memref<1250x128xi32, #tpu.memory_space<hbm>> -> memref<1x128xi32, #tpu.memory_space<hbm>>
        %dma_start3A_24 = tpu.memref_squeeze %dma_start3A_23 : memref<1x128xi32, #tpu.memory_space<hbm>> -> memref<128xi32, #tpu.memory_space<hbm>>
        %dma_start3A_25 = arith.constant 0 : i32
        %dma_start3A_26 = tpu.memref_slice %arg3[%add3A_15, %dma_start3A_25] : memref<1250x128xi32, #tpu.memory_space<hbm>> -> memref<1x128xi32, #tpu.memory_space<hbm>>
        %dma_start3A_27 = tpu.memref_squeeze %dma_start3A_26 : memref<1x128xi32, #tpu.memory_space<hbm>> -> memref<128xi32, #tpu.memory_space<hbm>>
        tpu.enqueue_dma source(%dma_start3A_27 : memref<128xi32, #tpu.memory_space<hbm>>) target(%arg5 : memref<128xi32, #tpu.memory_space<vmem>>) target_semaphore(%run_scoped3A : memref<!tpu.dma_semaphore, #tpu.memory_space<semaphore_mem>>)
        %dma_wait3A_28 = arith.constant 0 : i32
        %dma_wait3A_29 = tpu.memref_slice %arg3[%add3A_15, %dma_wait3A_28] : memref<1250x128xi32, #tpu.memory_space<hbm>> -> memref<1x128xi32, #tpu.memory_space<hbm>>
        %dma_wait3A_30 = tpu.memref_squeeze %dma_wait3A_29 : memref<1x128xi32, #tpu.memory_space<hbm>> -> memref<128xi32, #tpu.memory_space<hbm>>
        %dma_wait3A_31 = arith.constant 0 : i32
        %dma_wait3A_32 = tpu.memref_slice %arg3[%add3A_15, %dma_wait3A_31] : memref<1250x128xi32, #tpu.memory_space<hbm>> -> memref<1x128xi32, #tpu.memory_space<hbm>>
        %dma_wait3A_33 = tpu.memref_squeeze %dma_wait3A_32 : memref<1x128xi32, #tpu.memory_space<hbm>> -> memref<128xi32, #tpu.memory_space<hbm>>
        tpu.wait_dma2 semaphore(%run_scoped3A : memref<!tpu.dma_semaphore, #tpu.memory_space<semaphore_mem>>) src(%dma_wait3A_33 : memref<128xi32, #tpu.memory_space<hbm>>) dst(%arg5 : memref<128xi32, #tpu.memory_space<vmem>>)
        tpu.yield
      }) : () -> ()
      %dma_start3A = arith.constant 0 : i32
      %dma_start3A_16 = arith.constant 0 : i32
      %dma_start3A_17 = tpu.memref_slice %arg2[%dma_start3A, %dma_start3A_16] : memref<10000x32xf32, #tpu.memory_space<hbm>> -> memref<10000x32xf32, #tpu.memory_space<hbm>>
      tpu.enqueue_indirect_dma source(%dma_start3A_17 : memref<10000x32xf32, #tpu.memory_space<hbm>>) target(%arg6 : memref<128x32xf32, #tpu.memory_space<vmem>>) offsets(%arg5 : memref<128xi32, #tpu.memory_space<vmem>>) semaphore(%arg7 : memref<!tpu.dma_semaphore, #tpu.memory_space<semaphore_mem>>)
      %dma_wait3A = arith.constant 0 : i32
      %dma_wait3A_18 = arith.constant 0 : i32
      %dma_wait3A_19 = tpu.memref_slice %arg2[%dma_wait3A, %dma_wait3A_18] : memref<10000x32xf32, #tpu.memory_space<hbm>> -> memref<10000x32xf32, #tpu.memory_space<hbm>>
      tpu.wait_indirect_dma semaphore(%arg7 : memref<!tpu.dma_semaphore, #tpu.memory_space<semaphore_mem>>) src(%dma_wait3A_19 : memref<10000x32xf32, #tpu.memory_space<hbm>>) dst(%arg6 : memref<128x32xf32, #tpu.memory_space<vmem>>)
      %mul3A_20 = arith.constant 128 : i32
      %mul3A_21 = arith.muli %add3A_15, %mul3A_20 : i32
      "tpu.region"() ({
        %run_scoped3A = tpu.sem_alloc : memref<!tpu.dma_semaphore, #tpu.memory_space<semaphore_mem>>
        %dma_start3A_22 = arith.constant 0 : i32
        %dma_start3A_23 = tpu.memref_slice %arg4[%mul3A_21, %dma_start3A_22] : memref<160000x32xf32, #tpu.memory_space<hbm>> -> memref<128x32xf32, #tpu.memory_space<hbm>>
        %dma_start3A_24 = arith.constant 0 : i32
        %dma_start3A_25 = tpu.memref_slice %arg4[%mul3A_21, %dma_start3A_24] : memref<160000x32xf32, #tpu.memory_space<hbm>> -> memref<128x32xf32, #tpu.memory_space<hbm>>
        tpu.enqueue_dma source(%arg6 : memref<128x32xf32, #tpu.memory_space<vmem>>) target(%dma_start3A_25 : memref<128x32xf32, #tpu.memory_space<hbm>>) target_semaphore(%run_scoped3A : memref<!tpu.dma_semaphore, #tpu.memory_space<semaphore_mem>>)
        %dma_wait3A_26 = arith.constant 0 : i32
        %dma_wait3A_27 = tpu.memref_slice %arg4[%mul3A_21, %dma_wait3A_26] : memref<160000x32xf32, #tpu.memory_space<hbm>> -> memref<128x32xf32, #tpu.memory_space<hbm>>
        %dma_wait3A_28 = arith.constant 0 : i32
        %dma_wait3A_29 = tpu.memref_slice %arg4[%mul3A_21, %dma_wait3A_28] : memref<160000x32xf32, #tpu.memory_space<hbm>> -> memref<128x32xf32, #tpu.memory_space<hbm>>
        tpu.wait_dma2 semaphore(%run_scoped3A : memref<!tpu.dma_semaphore, #tpu.memory_space<semaphore_mem>>) src(%arg6 : memref<128x32xf32, #tpu.memory_space<vmem>>) dst(%dma_wait3A_29 : memref<128x32xf32, #tpu.memory_space<hbm>>)
        tpu.yield
      }) : () -> ()
    }
    %while3A_11 = arith.constant 1 : i32
    scf.for %while3A_12 = %while3A_9 to %while3A_5 step %while3A_11  : i32 {
      %mul3A_13 = arith.constant 32 : i32
      %mul3A_14 = arith.muli %while3A_12, %mul3A_13 : i32
      %add3A_15 = arith.addi %add3A, %mul3A_14 : i32
      "tpu.region"() ({
        %run_scoped3A = tpu.sem_alloc : memref<!tpu.dma_semaphore, #tpu.memory_space<semaphore_mem>>
        %dma_start3A_22 = arith.constant 0 : i32
        %dma_start3A_23 = tpu.memref_slice %arg3[%add3A_15, %dma_start3A_22] : memref<1250x128xi32, #tpu.memory_space<hbm>> -> memref<1x128xi32, #tpu.memory_space<hbm>>
        %dma_start3A_24 = tpu.memref_squeeze %dma_start3A_23 : memref<1x128xi32, #tpu.memory_space<hbm>> -> memref<128xi32, #tpu.memory_space<hbm>>
        %dma_start3A_25 = arith.constant 0 : i32
        %dma_start3A_26 = tpu.memref_slice %arg3[%add3A_15, %dma_start3A_25] : memref<1250x128xi32, #tpu.memory_space<hbm>> -> memref<1x128xi32, #tpu.memory_space<hbm>>
        %dma_start3A_27 = tpu.memref_squeeze %dma_start3A_26 : memref<1x128xi32, #tpu.memory_space<hbm>> -> memref<128xi32, #tpu.memory_space<hbm>>
        tpu.enqueue_dma source(%dma_start3A_27 : memref<128xi32, #tpu.memory_space<hbm>>) target(%arg5 : memref<128xi32, #tpu.memory_space<vmem>>) target_semaphore(%run_scoped3A : memref<!tpu.dma_semaphore, #tpu.memory_space<semaphore_mem>>)
        %dma_wait3A_28 = arith.constant 0 : i32
        %dma_wait3A_29 = tpu.memref_slice %arg3[%add3A_15, %dma_wait3A_28] : memref<1250x128xi32, #tpu.memory_space<hbm>> -> memref<1x128xi32, #tpu.memory_space<hbm>>
        %dma_wait3A_30 = tpu.memref_squeeze %dma_wait3A_29 : memref<1x128xi32, #tpu.memory_space<hbm>> -> memref<128xi32, #tpu.memory_space<hbm>>
        %dma_wait3A_31 = arith.constant 0 : i32
        %dma_wait3A_32 = tpu.memref_slice %arg3[%add3A_15, %dma_wait3A_31] : memref<1250x128xi32, #tpu.memory_space<hbm>> -> memref<1x128xi32, #tpu.memory_space<hbm>>
        %dma_wait3A_33 = tpu.memref_squeeze %dma_wait3A_32 : memref<1x128xi32, #tpu.memory_space<hbm>> -> memref<128xi32, #tpu.memory_space<hbm>>
        tpu.wait_dma2 semaphore(%run_scoped3A : memref<!tpu.dma_semaphore, #tpu.memory_space<semaphore_mem>>) src(%dma_wait3A_33 : memref<128xi32, #tpu.memory_space<hbm>>) dst(%arg5 : memref<128xi32, #tpu.memory_space<vmem>>)
        tpu.yield
      }) : () -> ()
      %dma_start3A = arith.constant 0 : i32
      %dma_start3A_16 = arith.constant 0 : i32
      %dma_start3A_17 = tpu.memref_slice %arg2[%dma_start3A, %dma_start3A_16] : memref<10000x32xf32, #tpu.memory_space<hbm>> -> memref<10000x32xf32, #tpu.memory_space<hbm>>
      tpu.enqueue_indirect_dma source(%dma_start3A_17 : memref<10000x32xf32, #tpu.memory_space<hbm>>) target(%arg6 : memref<128x32xf32, #tpu.memory_space<vmem>>) offsets(%arg5 : memref<128xi32, #tpu.memory_space<vmem>>) semaphore(%arg7 : memref<!tpu.dma_semaphore, #tpu.memory_space<semaphore_mem>>)
      %dma_wait3A = arith.constant 0 : i32
      %dma_wait3A_18 = arith.constant 0 : i32
      %dma_wait3A_19 = tpu.memref_slice %arg2[%dma_wait3A, %dma_wait3A_18] : memref<10000x32xf32, #tpu.memory_space<hbm>> -> memref<10000x32xf32, #tpu.memory_space<hbm>>
      tpu.wait_indirect_dma semaphore(%arg7 : memref<!tpu.dma_semaphore, #tpu.memory_space<semaphore_mem>>) src(%dma_wait3A_19 : memref<10000x32xf32, #tpu.memory_space<hbm>>) dst(%arg6 : memref<128x32xf32, #tpu.memory_space<vmem>>)
      %mul3A_20 = arith.constant 128 : i32
      %mul3A_21 = arith.muli %add3A_15, %mul3A_20 : i32
      "tpu.region"() ({
        %run_scoped3A = tpu.sem_alloc : memref<!tpu.dma_semaphore, #tpu.memory_space<semaphore_mem>>
        %dma_start3A_22 = arith.constant 0 : i32
        %dma_start3A_23 = tpu.memref_slice %arg4[%mul3A_21, %dma_start3A_22] : memref<160000x32xf32, #tpu.memory_space<hbm>> -> memref<128x32xf32, #tpu.memory_space<hbm>>
        %dma_start3A_24 = arith.constant 0 : i32
        %dma_start3A_25 = tpu.memref_slice %arg4[%mul3A_21, %dma_start3A_24] : memref<160000x32xf32, #tpu.memory_space<hbm>> -> memref<128x32xf32, #tpu.memory_space<hbm>>
        tpu.enqueue_dma source(%arg6 : memref<128x32xf32, #tpu.memory_space<vmem>>) target(%dma_start3A_25 : memref<128x32xf32, #tpu.memory_space<hbm>>) target_semaphore(%run_scoped3A : memref<!tpu.dma_semaphore, #tpu.memory_space<semaphore_mem>>)
        %dma_wait3A_26 = arith.constant 0 : i32
        %dma_wait3A_27 = tpu.memref_slice %arg4[%mul3A_21, %dma_wait3A_26] : memref<160000x32xf32, #tpu.memory_space<hbm>> -> memref<128x32xf32, #tpu.memory_space<hbm>>
        %dma_wait3A_28 = arith.constant 0 : i32
        %dma_wait3A_29 = tpu.memref_slice %arg4[%mul3A_21, %dma_wait3A_28] : memref<160000x32xf32, #tpu.memory_space<hbm>> -> memref<128x32xf32, #tpu.memory_space<hbm>>
        tpu.wait_dma2 semaphore(%run_scoped3A : memref<!tpu.dma_semaphore, #tpu.memory_space<semaphore_mem>>) src(%arg6 : memref<128x32xf32, #tpu.memory_space<vmem>>) dst(%dma_wait3A_29 : memref<128x32xf32, #tpu.memory_space<hbm>>)
        tpu.yield
      }) : () -> ()
    }
    return
  }
}

#map = affine_map<(d0, d1) -> (0, 0)>
module attributes {stable_mosaic.version = 14 : i64} {
  func.func @_gather_body(%arg0: i32, %arg1: i32, %arg2: memref<10000x32xf32, #tpu.memory_space<hbm>>, %arg3: memref<1250x128xi32, #tpu.memory_space<hbm>>, %arg4: memref<160000x32xf32, #tpu.memory_space<hbm>>, %arg5: memref<128xi32, #tpu.memory_space<vmem>>, %arg6: memref<128x32xf32, #tpu.memory_space<vmem>>, %arg7: memref<!tpu.dma_semaphore, #tpu.memory_space<semaphore_mem>>) attributes {dimension_semantics = [#tpu.dimension_semantics<core_parallel>, #tpu.dimension_semantics<subcore_parallel>], iteration_bounds = array<i64: 2, 16>, scalar_prefetch = 0 : i64, scratch_operands = 3 : i64, tpu.core_type = #tpu.core_type<sc_vector_subcore>, window_params = [{transform_indices = #map}, {transform_indices = #map}, {transform_indices = #map}]} {
    %mul3A = arith.constant 2 : i32
    %mul3A_0 = arith.muli %arg1, %mul3A : i32
    %add3A = arith.addi %mul3A_0, %arg0 : i32
    %lt3A = arith.constant 2 : i32
    %lt3A_1 = arith.cmpi slt, %add3A, %lt3A : i32
    %jit3A = arith.constant 40 : i32
    %jit3A_2 = arith.constant 39 : i32
    %select_n3A = arith.select %lt3A_1, %jit3A, %jit3A_2 : i32
    %while3A = arith.constant 0 : i32
    %while3A_3 = arith.constant 0 : i32
    %while3A_4 = arith.subi %select_n3A, %while3A_3 : i32
    %while3A_5 = arith.addi %while3A_3, %while3A_4 : i32
    %while3A_6 = arith.constant 1 : i32
    %while3A_7 = arith.divsi %while3A_4, %while3A_6 : i32
    %while3A_8 = arith.muli %while3A_7, %while3A_6 : i32
    %while3A_9 = arith.addi %while3A_3, %while3A_8 : i32
    %while3A_10 = arith.constant 1 : i32
    scf.for %while3A_12 = %while3A_3 to %while3A_9 step %while3A_10  : i32 {
      %mul3A_13 = arith.constant 32 : i32
      %mul3A_14 = arith.muli %while3A_12, %mul3A_13 : i32
      %add3A_15 = arith.addi %add3A, %mul3A_14 : i32
      "tpu.region"() ({
        %run_scoped3A = tpu.sem_alloc : memref<!tpu.dma_semaphore, #tpu.memory_space<semaphore_mem>>
        %dma_start3A_22 = arith.constant 0 : i32
        %dma_start3A_23 = tpu.memref_slice %arg3[%add3A_15, %dma_start3A_22] : memref<1250x128xi32, #tpu.memory_space<hbm>> -> memref<1x128xi32, #tpu.memory_space<hbm>>
        %dma_start3A_24 = tpu.memref_squeeze %dma_start3A_23 : memref<1x128xi32, #tpu.memory_space<hbm>> -> memref<128xi32, #tpu.memory_space<hbm>>
        %dma_start3A_25 = arith.constant 0 : i32
        %dma_start3A_26 = tpu.memref_slice %arg3[%add3A_15, %dma_start3A_25] : memref<1250x128xi32, #tpu.memory_space<hbm>> -> memref<1x128xi32, #tpu.memory_space<hbm>>
        %dma_start3A_27 = tpu.memref_squeeze %dma_start3A_26 : memref<1x128xi32, #tpu.memory_space<hbm>> -> memref<128xi32, #tpu.memory_space<hbm>>
        tpu.enqueue_dma source(%dma_start3A_27 : memref<128xi32, #tpu.memory_space<hbm>>) target(%arg5 : memref<128xi32, #tpu.memory_space<vmem>>) target_semaphore(%run_scoped3A : memref<!tpu.dma_semaphore, #tpu.memory_space<semaphore_mem>>)
        %dma_wait3A_28 = arith.constant 0 : i32
        %dma_wait3A_29 = tpu.memref_slice %arg3[%add3A_15, %dma_wait3A_28] : memref<1250x128xi32, #tpu.memory_space<hbm>> -> memref<1x128xi32, #tpu.memory_space<hbm>>
        %dma_wait3A_30 = tpu.memref_squeeze %dma_wait3A_29 : memref<1x128xi32, #tpu.memory_space<hbm>> -> memref<128xi32, #tpu.memory_space<hbm>>
        %dma_wait3A_31 = arith.constant 0 : i32
        %dma_wait3A_32 = tpu.memref_slice %arg3[%add3A_15, %dma_wait3A_31] : memref<1250x128xi32, #tpu.memory_space<hbm>> -> memref<1x128xi32, #tpu.memory_space<hbm>>
        %dma_wait3A_33 = tpu.memref_squeeze %dma_wait3A_32 : memref<1x128xi32, #tpu.memory_space<hbm>> -> memref<128xi32, #tpu.memory_space<hbm>>
        tpu.wait_dma2 semaphore(%run_scoped3A : memref<!tpu.dma_semaphore, #tpu.memory_space<semaphore_mem>>) src(%dma_wait3A_33 : memref<128xi32, #tpu.memory_space<hbm>>) dst(%arg5 : memref<128xi32, #tpu.memory_space<vmem>>)
        tpu.yield
      }) : () -> ()
      %dma_start3A = arith.constant 0 : i32
      %dma_start3A_16 = arith.constant 0 : i32
      %dma_start3A_17 = tpu.memref_slice %arg2[%dma_start3A, %dma_start3A_16] : memref<10000x32xf32, #tpu.memory_space<hbm>> -> memref<10000x32xf32, #tpu.memory_space<hbm>>
      tpu.enqueue_indirect_dma source(%dma_start3A_17 : memref<10000x32xf32, #tpu.memory_space<hbm>>) target(%arg6 : memref<128x32xf32, #tpu.memory_space<vmem>>) offsets(%arg5 : memref<128xi32, #tpu.memory_space<vmem>>) semaphore(%arg7 : memref<!tpu.dma_semaphore, #tpu.memory_space<semaphore_mem>>)
      %dma_wait3A = arith.constant 0 : i32
      %dma_wait3A_18 = arith.constant 0 : i32
      %dma_wait3A_19 = tpu.memref_slice %arg2[%dma_wait3A, %dma_wait3A_18] : memref<10000x32xf32, #tpu.memory_space<hbm>> -> memref<10000x32xf32, #tpu.memory_space<hbm>>
      tpu.wait_indirect_dma semaphore(%arg7 : memref<!tpu.dma_semaphore, #tpu.memory_space<semaphore_mem>>) src(%dma_wait3A_19 : memref<10000x32xf32, #tpu.memory_space<hbm>>) dst(%arg6 : memref<128x32xf32, #tpu.memory_space<vmem>>)
      %mul3A_20 = arith.constant 128 : i32
      %mul3A_21 = arith.muli %add3A_15, %mul3A_20 : i32
      "tpu.region"() ({
        %run_scoped3A = tpu.sem_alloc : memref<!tpu.dma_semaphore, #tpu.memory_space<semaphore_mem>>
        %dma_start3A_22 = arith.constant 0 : i32
        %dma_start3A_23 = tpu.memref_slice %arg4[%mul3A_21, %dma_start3A_22] : memref<160000x32xf32, #tpu.memory_space<hbm>> -> memref<128x32xf32, #tpu.memory_space<hbm>>
        %dma_start3A_24 = arith.constant 0 : i32
        %dma_start3A_25 = tpu.memref_slice %arg4[%mul3A_21, %dma_start3A_24] : memref<160000x32xf32, #tpu.memory_space<hbm>> -> memref<128x32xf32, #tpu.memory_space<hbm>>
        tpu.enqueue_dma source(%arg6 : memref<128x32xf32, #tpu.memory_space<vmem>>) target(%dma_start3A_25 : memref<128x32xf32, #tpu.memory_space<hbm>>) target_semaphore(%run_scoped3A : memref<!tpu.dma_semaphore, #tpu.memory_space<semaphore_mem>>)
        %dma_wait3A_26 = arith.constant 0 : i32
        %dma_wait3A_27 = tpu.memref_slice %arg4[%mul3A_21, %dma_wait3A_26] : memref<160000x32xf32, #tpu.memory_space<hbm>> -> memref<128x32xf32, #tpu.memory_space<hbm>>
        %dma_wait3A_28 = arith.constant 0 : i32
        %dma_wait3A_29 = tpu.memref_slice %arg4[%mul3A_21, %dma_wait3A_28] : memref<160000x32xf32, #tpu.memory_space<hbm>> -> memref<128x32xf32, #tpu.memory_space<hbm>>
        tpu.wait_dma2 semaphore(%run_scoped3A : memref<!tpu.dma_semaphore, #tpu.memory_space<semaphore_mem>>) src(%arg6 : memref<128x32xf32, #tpu.memory_space<vmem>>) dst(%dma_wait3A_29 : memref<128x32xf32, #tpu.memory_space<hbm>>)
        tpu.yield
      }) : () -> ()
    }
    %while3A_11 = arith.constant 1 : i32
    scf.for %while3A_12 = %while3A_9 to %while3A_5 step %while3A_11  : i32 {
      %mul3A_13 = arith.constant 32 : i32
      %mul3A_14 = arith.muli %while3A_12, %mul3A_13 : i32
      %add3A_15 = arith.addi %add3A, %mul3A_14 : i32
      "tpu.region"() ({
        %run_scoped3A = tpu.sem_alloc : memref<!tpu.dma_semaphore, #tpu.memory_space<semaphore_mem>>
        %dma_start3A_22 = arith.constant 0 : i32
        %dma_start3A_23 = tpu.memref_slice %arg3[%add3A_15, %dma_start3A_22] : memref<1250x128xi32, #tpu.memory_space<hbm>> -> memref<1x128xi32, #tpu.memory_space<hbm>>
        %dma_start3A_24 = tpu.memref_squeeze %dma_start3A_23 : memref<1x128xi32, #tpu.memory_space<hbm>> -> memref<128xi32, #tpu.memory_space<hbm>>
        %dma_start3A_25 = arith.constant 0 : i32
        %dma_start3A_26 = tpu.memref_slice %arg3[%add3A_15, %dma_start3A_25] : memref<1250x128xi32, #tpu.memory_space<hbm>> -> memref<1x128xi32, #tpu.memory_space<hbm>>
        %dma_start3A_27 = tpu.memref_squeeze %dma_start3A_26 : memref<1x128xi32, #tpu.memory_space<hbm>> -> memref<128xi32, #tpu.memory_space<hbm>>
        tpu.enqueue_dma source(%dma_start3A_27 : memref<128xi32, #tpu.memory_space<hbm>>) target(%arg5 : memref<128xi32, #tpu.memory_space<vmem>>) target_semaphore(%run_scoped3A : memref<!tpu.dma_semaphore, #tpu.memory_space<semaphore_mem>>)
        %dma_wait3A_28 = arith.constant 0 : i32
        %dma_wait3A_29 = tpu.memref_slice %arg3[%add3A_15, %dma_wait3A_28] : memref<1250x128xi32, #tpu.memory_space<hbm>> -> memref<1x128xi32, #tpu.memory_space<hbm>>
        %dma_wait3A_30 = tpu.memref_squeeze %dma_wait3A_29 : memref<1x128xi32, #tpu.memory_space<hbm>> -> memref<128xi32, #tpu.memory_space<hbm>>
        %dma_wait3A_31 = arith.constant 0 : i32
        %dma_wait3A_32 = tpu.memref_slice %arg3[%add3A_15, %dma_wait3A_31] : memref<1250x128xi32, #tpu.memory_space<hbm>> -> memref<1x128xi32, #tpu.memory_space<hbm>>
        %dma_wait3A_33 = tpu.memref_squeeze %dma_wait3A_32 : memref<1x128xi32, #tpu.memory_space<hbm>> -> memref<128xi32, #tpu.memory_space<hbm>>
        tpu.wait_dma2 semaphore(%run_scoped3A : memref<!tpu.dma_semaphore, #tpu.memory_space<semaphore_mem>>) src(%dma_wait3A_33 : memref<128xi32, #tpu.memory_space<hbm>>) dst(%arg5 : memref<128xi32, #tpu.memory_space<vmem>>)
        tpu.yield
      }) : () -> ()
      %dma_start3A = arith.constant 0 : i32
      %dma_start3A_16 = arith.constant 0 : i32
      %dma_start3A_17 = tpu.memref_slice %arg2[%dma_start3A, %dma_start3A_16] : memref<10000x32xf32, #tpu.memory_space<hbm>> -> memref<10000x32xf32, #tpu.memory_space<hbm>>
      tpu.enqueue_indirect_dma source(%dma_start3A_17 : memref<10000x32xf32, #tpu.memory_space<hbm>>) target(%arg6 : memref<128x32xf32, #tpu.memory_space<vmem>>) offsets(%arg5 : memref<128xi32, #tpu.memory_space<vmem>>) semaphore(%arg7 : memref<!tpu.dma_semaphore, #tpu.memory_space<semaphore_mem>>)
      %dma_wait3A = arith.constant 0 : i32
      %dma_wait3A_18 = arith.constant 0 : i32
      %dma_wait3A_19 = tpu.memref_slice %arg2[%dma_wait3A, %dma_wait3A_18] : memref<10000x32xf32, #tpu.memory_space<hbm>> -> memref<10000x32xf32, #tpu.memory_space<hbm>>
      tpu.wait_indirect_dma semaphore(%arg7 : memref<!tpu.dma_semaphore, #tpu.memory_space<semaphore_mem>>) src(%dma_wait3A_19 : memref<10000x32xf32, #tpu.memory_space<hbm>>) dst(%arg6 : memref<128x32xf32, #tpu.memory_space<vmem>>)
      %mul3A_20 = arith.constant 128 : i32
      %mul3A_21 = arith.muli %add3A_15, %mul3A_20 : i32
      "tpu.region"() ({
        %run_scoped3A = tpu.sem_alloc : memref<!tpu.dma_semaphore, #tpu.memory_space<semaphore_mem>>
        %dma_start3A_22 = arith.constant 0 : i32
        %dma_start3A_23 = tpu.memref_slice %arg4[%mul3A_21, %dma_start3A_22] : memref<160000x32xf32, #tpu.memory_space<hbm>> -> memref<128x32xf32, #tpu.memory_space<hbm>>
        %dma_start3A_24 = arith.constant 0 : i32
        %dma_start3A_25 = tpu.memref_slice %arg4[%mul3A_21, %dma_start3A_24] : memref<160000x32xf32, #tpu.memory_space<hbm>> -> memref<128x32xf32, #tpu.memory_space<hbm>>
        tpu.enqueue_dma source(%arg6 : memref<128x32xf32, #tpu.memory_space<vmem>>) target(%dma_start3A_25 : memref<128x32xf32, #tpu.memory_space<hbm>>) target_semaphore(%run_scoped3A : memref<!tpu.dma_semaphore, #tpu.memory_space<semaphore_mem>>)
        %dma_wait3A_26 = arith.constant 0 : i32
        %dma_wait3A_27 = tpu.memref_slice %arg4[%mul3A_21, %dma_wait3A_26] : memref<160000x32xf32, #tpu.memory_space<hbm>> -> memref<128x32xf32, #tpu.memory_space<hbm>>
        %dma_wait3A_28 = arith.constant 0 : i32
        %dma_wait3A_29 = tpu.memref_slice %arg4[%mul3A_21, %dma_wait3A_28] : memref<160000x32xf32, #tpu.memory_space<hbm>> -> memref<128x32xf32, #tpu.memory_space<hbm>>
        tpu.wait_dma2 semaphore(%run_scoped3A : memref<!tpu.dma_semaphore, #tpu.memory_space<semaphore_mem>>) src(%arg6 : memref<128x32xf32, #tpu.memory_space<vmem>>) dst(%dma_wait3A_29 : memref<128x32xf32, #tpu.memory_space<hbm>>)
        tpu.yield
      }) : () -> ()
    }
    return
  }
}

#map = affine_map<(d0, d1) -> (0, 0)>
#map1 = affine_map<(d0, d1) -> (0, 0, 0)>
module attributes {stable_mosaic.version = 14 : i64} {
  func.func @_scatter_body(%arg0: i32, %arg1: i32, %arg2: memref<160000x32xf32, #tpu.memory_space<hbm>>, %arg3: memref<1250x128xi32, #tpu.memory_space<hbm>>, %arg4: memref<10000x32xf32, #tpu.memory_space<hbm>>, %arg5: memref<2x10000x32xf32, #tpu.memory_space<hbm>>, %arg6: memref<10000x32xf32, #tpu.memory_space<vmem_shared>>, %arg7: memref<128xi32, #tpu.memory_space<vmem>>, %arg8: memref<128x32xf32, #tpu.memory_space<vmem>>) attributes {dimension_semantics = [#tpu.dimension_semantics<core_parallel>, #tpu.dimension_semantics<subcore_parallel>], iteration_bounds = array<i64: 2, 16>, scalar_prefetch = 0 : i64, scratch_operands = 3 : i64, tpu.core_type = #tpu.core_type<sc_vector_subcore>, window_params = [{transform_indices = #map}, {transform_indices = #map}, {transform_indices = #map}, {transform_indices = #map1}]} {
    %mul3A = arith.constant 2 : i32
    %mul3A_0 = arith.muli %arg1, %mul3A : i32
    %add3A = arith.addi %mul3A_0, %arg0 : i32
    %eq3A = arith.constant 0 : i32
    %eq3A_1 = arith.cmpi eq, %arg1, %eq3A : i32
    %convert_element_type3A = arith.extui %eq3A_1 : i1 to i32
    %cond3A = arith.constant 0 : i32
    %cond3A_2 = arith.cmpi ne, %convert_element_type3A, %cond3A : i32
    scf.if %cond3A_2 {
      "tpu.region"() ({
        %run_scoped3A = tpu.sem_alloc : memref<!tpu.dma_semaphore, #tpu.memory_space<semaphore_mem>>
        tpu.enqueue_dma source(%arg4 : memref<10000x32xf32, #tpu.memory_space<hbm>>) target(%arg6 : memref<10000x32xf32, #tpu.memory_space<vmem_shared>>) target_semaphore(%run_scoped3A : memref<!tpu.dma_semaphore, #tpu.memory_space<semaphore_mem>>)
        tpu.wait_dma2 semaphore(%run_scoped3A : memref<!tpu.dma_semaphore, #tpu.memory_space<semaphore_mem>>) src(%arg4 : memref<10000x32xf32, #tpu.memory_space<hbm>>) dst(%arg6 : memref<10000x32xf32, #tpu.memory_space<vmem_shared>>)
        tpu.yield
      }) : () -> ()
    } else {
    }
    %barrier3A = arith.constant 0 : index
    tpu.barrier barrier_id(%barrier3A)
    %lt3A = arith.constant 2 : i32
    %lt3A_3 = arith.cmpi slt, %add3A, %lt3A : i32
    %jit3A = arith.constant 40 : i32
    %jit3A_4 = arith.constant 39 : i32
    %select_n3A = arith.select %lt3A_3, %jit3A, %jit3A_4 : i32
    %while3A = arith.constant 0 : i32
    %while3A_5 = arith.constant 0 : i32
    %while3A_6 = arith.subi %select_n3A, %while3A_5 : i32
    %while3A_7 = arith.addi %while3A_5, %while3A_6 : i32
    %while3A_8 = arith.constant 1 : i32
    %while3A_9 = arith.divsi %while3A_6, %while3A_8 : i32
    %while3A_10 = arith.muli %while3A_9, %while3A_8 : i32
    %while3A_11 = arith.addi %while3A_5, %while3A_10 : i32
    %while3A_12 = arith.constant 1 : i32
    scf.for %while3A_19 = %while3A_5 to %while3A_11 step %while3A_12  : i32 {
      %mul3A_20 = arith.constant 32 : i32
      %mul3A_21 = arith.muli %while3A_19, %mul3A_20 : i32
      %add3A_22 = arith.addi %add3A, %mul3A_21 : i32
      "tpu.region"() ({
        %run_scoped3A = tpu.sem_alloc : memref<!tpu.dma_semaphore, #tpu.memory_space<semaphore_mem>>
        %dma_start3A = arith.constant 0 : i32
        %dma_start3A_25 = tpu.memref_slice %arg3[%add3A_22, %dma_start3A] : memref<1250x128xi32, #tpu.memory_space<hbm>> -> memref<1x128xi32, #tpu.memory_space<hbm>>
        %dma_start3A_26 = tpu.memref_squeeze %dma_start3A_25 : memref<1x128xi32, #tpu.memory_space<hbm>> -> memref<128xi32, #tpu.memory_space<hbm>>
        %dma_start3A_27 = arith.constant 0 : i32
        %dma_start3A_28 = tpu.memref_slice %arg3[%add3A_22, %dma_start3A_27] : memref<1250x128xi32, #tpu.memory_space<hbm>> -> memref<1x128xi32, #tpu.memory_space<hbm>>
        %dma_start3A_29 = tpu.memref_squeeze %dma_start3A_28 : memref<1x128xi32, #tpu.memory_space<hbm>> -> memref<128xi32, #tpu.memory_space<hbm>>
        tpu.enqueue_dma source(%dma_start3A_29 : memref<128xi32, #tpu.memory_space<hbm>>) target(%arg7 : memref<128xi32, #tpu.memory_space<vmem>>) target_semaphore(%run_scoped3A : memref<!tpu.dma_semaphore, #tpu.memory_space<semaphore_mem>>)
        %dma_wait3A = arith.constant 0 : i32
        %dma_wait3A_30 = tpu.memref_slice %arg3[%add3A_22, %dma_wait3A] : memref<1250x128xi32, #tpu.memory_space<hbm>> -> memref<1x128xi32, #tpu.memory_space<hbm>>
        %dma_wait3A_31 = tpu.memref_squeeze %dma_wait3A_30 : memref<1x128xi32, #tpu.memory_space<hbm>> -> memref<128xi32, #tpu.memory_space<hbm>>
        %dma_wait3A_32 = arith.constant 0 : i32
        %dma_wait3A_33 = tpu.memref_slice %arg3[%add3A_22, %dma_wait3A_32] : memref<1250x128xi32, #tpu.memory_space<hbm>> -> memref<1x128xi32, #tpu.memory_space<hbm>>
        %dma_wait3A_34 = tpu.memref_squeeze %dma_wait3A_33 : memref<1x128xi32, #tpu.memory_space<hbm>> -> memref<128xi32, #tpu.memory_space<hbm>>
        tpu.wait_dma2 semaphore(%run_scoped3A : memref<!tpu.dma_semaphore, #tpu.memory_space<semaphore_mem>>) src(%dma_wait3A_34 : memref<128xi32, #tpu.memory_space<hbm>>) dst(%arg7 : memref<128xi32, #tpu.memory_space<vmem>>)
        tpu.yield
      }) : () -> ()
      %mul3A_23 = arith.constant 128 : i32
      %mul3A_24 = arith.muli %add3A_22, %mul3A_23 : i32
      "tpu.region"() ({
        %run_scoped3A = tpu.sem_alloc : memref<!tpu.dma_semaphore, #tpu.memory_space<semaphore_mem>>
        %dma_start3A = arith.constant 0 : i32
        %dma_start3A_25 = tpu.memref_slice %arg2[%mul3A_24, %dma_start3A] : memref<160000x32xf32, #tpu.memory_space<hbm>> -> memref<128x32xf32, #tpu.memory_space<hbm>>
        %dma_start3A_26 = arith.constant 0 : i32
        %dma_start3A_27 = tpu.memref_slice %arg2[%mul3A_24, %dma_start3A_26] : memref<160000x32xf32, #tpu.memory_space<hbm>> -> memref<128x32xf32, #tpu.memory_space<hbm>>
        tpu.enqueue_dma source(%dma_start3A_27 : memref<128x32xf32, #tpu.memory_space<hbm>>) target(%arg8 : memref<128x32xf32, #tpu.memory_space<vmem>>) target_semaphore(%run_scoped3A : memref<!tpu.dma_semaphore, #tpu.memory_space<semaphore_mem>>)
        %dma_wait3A = arith.constant 0 : i32
        %dma_wait3A_28 = tpu.memref_slice %arg2[%mul3A_24, %dma_wait3A] : memref<160000x32xf32, #tpu.memory_space<hbm>> -> memref<128x32xf32, #tpu.memory_space<hbm>>
        %dma_wait3A_29 = arith.constant 0 : i32
        %dma_wait3A_30 = tpu.memref_slice %arg2[%mul3A_24, %dma_wait3A_29] : memref<160000x32xf32, #tpu.memory_space<hbm>> -> memref<128x32xf32, #tpu.memory_space<hbm>>
        tpu.wait_dma2 semaphore(%run_scoped3A : memref<!tpu.dma_semaphore, #tpu.memory_space<semaphore_mem>>) src(%dma_wait3A_30 : memref<128x32xf32, #tpu.memory_space<hbm>>) dst(%arg8 : memref<128x32xf32, #tpu.memory_space<vmem>>)
        tpu.yield
      }) : () -> ()
      "tpu.region"() ({
        %run_scoped3A = tpu.sem_alloc : memref<!tpu.dma_semaphore, #tpu.memory_space<semaphore_mem>>
        %dma_start3A = arith.constant 0 : i32
        %dma_start3A_25 = arith.constant 0 : i32
        %dma_start3A_26 = tpu.memref_slice %arg6[%dma_start3A, %dma_start3A_25] : memref<10000x32xf32, #tpu.memory_space<vmem_shared>> -> memref<10000x32xf32, #tpu.memory_space<vmem_shared>>
        tpu.enqueue_indirect_dma source(%arg8 : memref<128x32xf32, #tpu.memory_space<vmem>>) target(%dma_start3A_26 : memref<10000x32xf32, #tpu.memory_space<vmem_shared>>) offsets(%arg7 : memref<128xi32, #tpu.memory_space<vmem>>) semaphore(%run_scoped3A : memref<!tpu.dma_semaphore, #tpu.memory_space<semaphore_mem>>) {add = true}
        %dma_wait3A = arith.constant 0 : i32
        %dma_wait3A_27 = arith.constant 0 : i32
        %dma_wait3A_28 = tpu.memref_slice %arg6[%dma_wait3A, %dma_wait3A_27] : memref<10000x32xf32, #tpu.memory_space<vmem_shared>> -> memref<10000x32xf32, #tpu.memory_space<vmem_shared>>
        tpu.wait_indirect_dma semaphore(%run_scoped3A : memref<!tpu.dma_semaphore, #tpu.memory_space<semaphore_mem>>) src(%arg8 : memref<128x32xf32, #tpu.memory_space<vmem>>) dst(%dma_wait3A_28 : memref<10000x32xf32, #tpu.memory_space<vmem_shared>>)
        tpu.yield
      }) : () -> ()
    }
    %while3A_13 = arith.constant 1 : i32
    scf.for %while3A_19 = %while3A_11 to %while3A_7 step %while3A_13  : i32 {
      %mul3A_20 = arith.constant 32 : i32
      %mul3A_21 = arith.muli %while3A_19, %mul3A_20 : i32
      %add3A_22 = arith.addi %add3A, %mul3A_21 : i32
      "tpu.region"() ({
        %run_scoped3A = tpu.sem_alloc : memref<!tpu.dma_semaphore, #tpu.memory_space<semaphore_mem>>
        %dma_start3A = arith.constant 0 : i32
        %dma_start3A_25 = tpu.memref_slice %arg3[%add3A_22, %dma_start3A] : memref<1250x128xi32, #tpu.memory_space<hbm>> -> memref<1x128xi32, #tpu.memory_space<hbm>>
        %dma_start3A_26 = tpu.memref_squeeze %dma_start3A_25 : memref<1x128xi32, #tpu.memory_space<hbm>> -> memref<128xi32, #tpu.memory_space<hbm>>
        %dma_start3A_27 = arith.constant 0 : i32
        %dma_start3A_28 = tpu.memref_slice %arg3[%add3A_22, %dma_start3A_27] : memref<1250x128xi32, #tpu.memory_space<hbm>> -> memref<1x128xi32, #tpu.memory_space<hbm>>
        %dma_start3A_29 = tpu.memref_squeeze %dma_start3A_28 : memref<1x128xi32, #tpu.memory_space<hbm>> -> memref<128xi32, #tpu.memory_space<hbm>>
        tpu.enqueue_dma source(%dma_start3A_29 : memref<128xi32, #tpu.memory_space<hbm>>) target(%arg7 : memref<128xi32, #tpu.memory_space<vmem>>) target_semaphore(%run_scoped3A : memref<!tpu.dma_semaphore, #tpu.memory_space<semaphore_mem>>)
        %dma_wait3A = arith.constant 0 : i32
        %dma_wait3A_30 = tpu.memref_slice %arg3[%add3A_22, %dma_wait3A] : memref<1250x128xi32, #tpu.memory_space<hbm>> -> memref<1x128xi32, #tpu.memory_space<hbm>>
        %dma_wait3A_31 = tpu.memref_squeeze %dma_wait3A_30 : memref<1x128xi32, #tpu.memory_space<hbm>> -> memref<128xi32, #tpu.memory_space<hbm>>
        %dma_wait3A_32 = arith.constant 0 : i32
        %dma_wait3A_33 = tpu.memref_slice %arg3[%add3A_22, %dma_wait3A_32] : memref<1250x128xi32, #tpu.memory_space<hbm>> -> memref<1x128xi32, #tpu.memory_space<hbm>>
        %dma_wait3A_34 = tpu.memref_squeeze %dma_wait3A_33 : memref<1x128xi32, #tpu.memory_space<hbm>> -> memref<128xi32, #tpu.memory_space<hbm>>
        tpu.wait_dma2 semaphore(%run_scoped3A : memref<!tpu.dma_semaphore, #tpu.memory_space<semaphore_mem>>) src(%dma_wait3A_34 : memref<128xi32, #tpu.memory_space<hbm>>) dst(%arg7 : memref<128xi32, #tpu.memory_space<vmem>>)
        tpu.yield
      }) : () -> ()
      %mul3A_23 = arith.constant 128 : i32
      %mul3A_24 = arith.muli %add3A_22, %mul3A_23 : i32
      "tpu.region"() ({
        %run_scoped3A = tpu.sem_alloc : memref<!tpu.dma_semaphore, #tpu.memory_space<semaphore_mem>>
        %dma_start3A = arith.constant 0 : i32
        %dma_start3A_25 = tpu.memref_slice %arg2[%mul3A_24, %dma_start3A] : memref<160000x32xf32, #tpu.memory_space<hbm>> -> memref<128x32xf32, #tpu.memory_space<hbm>>
        %dma_start3A_26 = arith.constant 0 : i32
        %dma_start3A_27 = tpu.memref_slice %arg2[%mul3A_24, %dma_start3A_26] : memref<160000x32xf32, #tpu.memory_space<hbm>> -> memref<128x32xf32, #tpu.memory_space<hbm>>
        tpu.enqueue_dma source(%dma_start3A_27 : memref<128x32xf32, #tpu.memory_space<hbm>>) target(%arg8 : memref<128x32xf32, #tpu.memory_space<vmem>>) target_semaphore(%run_scoped3A : memref<!tpu.dma_semaphore, #tpu.memory_space<semaphore_mem>>)
        %dma_wait3A = arith.constant 0 : i32
        %dma_wait3A_28 = tpu.memref_slice %arg2[%mul3A_24, %dma_wait3A] : memref<160000x32xf32, #tpu.memory_space<hbm>> -> memref<128x32xf32, #tpu.memory_space<hbm>>
        %dma_wait3A_29 = arith.constant 0 : i32
        %dma_wait3A_30 = tpu.memref_slice %arg2[%mul3A_24, %dma_wait3A_29] : memref<160000x32xf32, #tpu.memory_space<hbm>> -> memref<128x32xf32, #tpu.memory_space<hbm>>
        tpu.wait_dma2 semaphore(%run_scoped3A : memref<!tpu.dma_semaphore, #tpu.memory_space<semaphore_mem>>) src(%dma_wait3A_30 : memref<128x32xf32, #tpu.memory_space<hbm>>) dst(%arg8 : memref<128x32xf32, #tpu.memory_space<vmem>>)
        tpu.yield
      }) : () -> ()
      "tpu.region"() ({
        %run_scoped3A = tpu.sem_alloc : memref<!tpu.dma_semaphore, #tpu.memory_space<semaphore_mem>>
        %dma_start3A = arith.constant 0 : i32
        %dma_start3A_25 = arith.constant 0 : i32
        %dma_start3A_26 = tpu.memref_slice %arg6[%dma_start3A, %dma_start3A_25] : memref<10000x32xf32, #tpu.memory_space<vmem_shared>> -> memref<10000x32xf32, #tpu.memory_space<vmem_shared>>
        tpu.enqueue_indirect_dma source(%arg8 : memref<128x32xf32, #tpu.memory_space<vmem>>) target(%dma_start3A_26 : memref<10000x32xf32, #tpu.memory_space<vmem_shared>>) offsets(%arg7 : memref<128xi32, #tpu.memory_space<vmem>>) semaphore(%run_scoped3A : memref<!tpu.dma_semaphore, #tpu.memory_space<semaphore_mem>>) {add = true}
        %dma_wait3A = arith.constant 0 : i32
        %dma_wait3A_27 = arith.constant 0 : i32
        %dma_wait3A_28 = tpu.memref_slice %arg6[%dma_wait3A, %dma_wait3A_27] : memref<10000x32xf32, #tpu.memory_space<vmem_shared>> -> memref<10000x32xf32, #tpu.memory_space<vmem_shared>>
        tpu.wait_indirect_dma semaphore(%run_scoped3A : memref<!tpu.dma_semaphore, #tpu.memory_space<semaphore_mem>>) src(%arg8 : memref<128x32xf32, #tpu.memory_space<vmem>>) dst(%dma_wait3A_28 : memref<10000x32xf32, #tpu.memory_space<vmem_shared>>)
        tpu.yield
      }) : () -> ()
    }
    %barrier3A_14 = arith.constant 0 : index
    tpu.barrier barrier_id(%barrier3A_14)
    %mul3A_15 = arith.constant 625 : i32
    %mul3A_16 = arith.muli %arg1, %mul3A_15 : i32
    %mul3A_17 = arith.constant 625 : i32
    %mul3A_18 = arith.muli %arg1, %mul3A_17 : i32
    "tpu.region"() ({
      %run_scoped3A = tpu.sem_alloc : memref<!tpu.dma_semaphore, #tpu.memory_space<semaphore_mem>>
      %dma_start3A = arith.constant 0 : i32
      %dma_start3A_19 = tpu.memref_slice %arg5[%arg0, %mul3A_18, %dma_start3A] : memref<2x10000x32xf32, #tpu.memory_space<hbm>> -> memref<1x625x32xf32, #tpu.memory_space<hbm>>
      %dma_start3A_20 = tpu.memref_squeeze %dma_start3A_19 : memref<1x625x32xf32, #tpu.memory_space<hbm>> -> memref<625x32xf32, #tpu.memory_space<hbm>>
      %dma_start3A_21 = arith.constant 0 : i32
      %dma_start3A_22 = tpu.memref_slice %arg6[%mul3A_16, %dma_start3A_21] : memref<10000x32xf32, #tpu.memory_space<vmem_shared>> -> memref<625x32xf32, #tpu.memory_space<vmem_shared>>
      tpu.enqueue_dma source(%dma_start3A_22 : memref<625x32xf32, #tpu.memory_space<vmem_shared>>) target(%dma_start3A_20 : memref<625x32xf32, #tpu.memory_space<hbm>>) target_semaphore(%run_scoped3A : memref<!tpu.dma_semaphore, #tpu.memory_space<semaphore_mem>>)
      %dma_wait3A = arith.constant 0 : i32
      %dma_wait3A_23 = tpu.memref_slice %arg5[%arg0, %mul3A_18, %dma_wait3A] : memref<2x10000x32xf32, #tpu.memory_space<hbm>> -> memref<1x625x32xf32, #tpu.memory_space<hbm>>
      %dma_wait3A_24 = tpu.memref_squeeze %dma_wait3A_23 : memref<1x625x32xf32, #tpu.memory_space<hbm>> -> memref<625x32xf32, #tpu.memory_space<hbm>>
      %dma_wait3A_25 = arith.constant 0 : i32
      %dma_wait3A_26 = tpu.memref_slice %arg6[%mul3A_16, %dma_wait3A_25] : memref<10000x32xf32, #tpu.memory_space<vmem_shared>> -> memref<625x32xf32, #tpu.memory_space<vmem_shared>>
      tpu.wait_dma2 semaphore(%run_scoped3A : memref<!tpu.dma_semaphore, #tpu.memory_space<semaphore_mem>>) src(%dma_wait3A_26 : memref<625x32xf32, #tpu.memory_space<vmem_shared>>) dst(%dma_wait3A_24 : memref<625x32xf32, #tpu.memory_space<hbm>>)
      tpu.yield
    }) : () -> ()
    return
  }
}

#map = affine_map<(d0, d1) -> (0, 0)>
#map1 = affine_map<(d0, d1) -> (0, 0, 0)>
module attributes {stable_mosaic.version = 14 : i64} {
  func.func @_scatter_body(%arg0: i32, %arg1: i32, %arg2: memref<160000x32xf32, #tpu.memory_space<hbm>>, %arg3: memref<1250x128xi32, #tpu.memory_space<hbm>>, %arg4: memref<10000x32xf32, #tpu.memory_space<hbm>>, %arg5: memref<2x10000x32xf32, #tpu.memory_space<hbm>>, %arg6: memref<10000x32xf32, #tpu.memory_space<vmem_shared>>, %arg7: memref<128xi32, #tpu.memory_space<vmem>>, %arg8: memref<128x32xf32, #tpu.memory_space<vmem>>) attributes {dimension_semantics = [#tpu.dimension_semantics<core_parallel>, #tpu.dimension_semantics<subcore_parallel>], iteration_bounds = array<i64: 2, 16>, scalar_prefetch = 0 : i64, scratch_operands = 3 : i64, tpu.core_type = #tpu.core_type<sc_vector_subcore>, window_params = [{transform_indices = #map}, {transform_indices = #map}, {transform_indices = #map}, {transform_indices = #map1}]} {
    %mul3A = arith.constant 2 : i32
    %mul3A_0 = arith.muli %arg1, %mul3A : i32
    %add3A = arith.addi %mul3A_0, %arg0 : i32
    %eq3A = arith.constant 0 : i32
    %eq3A_1 = arith.cmpi eq, %arg1, %eq3A : i32
    %convert_element_type3A = arith.extui %eq3A_1 : i1 to i32
    %cond3A = arith.constant 0 : i32
    %cond3A_2 = arith.cmpi ne, %convert_element_type3A, %cond3A : i32
    scf.if %cond3A_2 {
      "tpu.region"() ({
        %run_scoped3A = tpu.sem_alloc : memref<!tpu.dma_semaphore, #tpu.memory_space<semaphore_mem>>
        tpu.enqueue_dma source(%arg4 : memref<10000x32xf32, #tpu.memory_space<hbm>>) target(%arg6 : memref<10000x32xf32, #tpu.memory_space<vmem_shared>>) target_semaphore(%run_scoped3A : memref<!tpu.dma_semaphore, #tpu.memory_space<semaphore_mem>>)
        tpu.wait_dma2 semaphore(%run_scoped3A : memref<!tpu.dma_semaphore, #tpu.memory_space<semaphore_mem>>) src(%arg4 : memref<10000x32xf32, #tpu.memory_space<hbm>>) dst(%arg6 : memref<10000x32xf32, #tpu.memory_space<vmem_shared>>)
        tpu.yield
      }) : () -> ()
    } else {
    }
    %barrier3A = arith.constant 0 : index
    tpu.barrier barrier_id(%barrier3A)
    %lt3A = arith.constant 2 : i32
    %lt3A_3 = arith.cmpi slt, %add3A, %lt3A : i32
    %jit3A = arith.constant 40 : i32
    %jit3A_4 = arith.constant 39 : i32
    %select_n3A = arith.select %lt3A_3, %jit3A, %jit3A_4 : i32
    %while3A = arith.constant 0 : i32
    %while3A_5 = arith.constant 0 : i32
    %while3A_6 = arith.subi %select_n3A, %while3A_5 : i32
    %while3A_7 = arith.addi %while3A_5, %while3A_6 : i32
    %while3A_8 = arith.constant 1 : i32
    %while3A_9 = arith.divsi %while3A_6, %while3A_8 : i32
    %while3A_10 = arith.muli %while3A_9, %while3A_8 : i32
    %while3A_11 = arith.addi %while3A_5, %while3A_10 : i32
    %while3A_12 = arith.constant 1 : i32
    scf.for %while3A_19 = %while3A_5 to %while3A_11 step %while3A_12  : i32 {
      %mul3A_20 = arith.constant 32 : i32
      %mul3A_21 = arith.muli %while3A_19, %mul3A_20 : i32
      %add3A_22 = arith.addi %add3A, %mul3A_21 : i32
      "tpu.region"() ({
        %run_scoped3A = tpu.sem_alloc : memref<!tpu.dma_semaphore, #tpu.memory_space<semaphore_mem>>
        %dma_start3A = arith.constant 0 : i32
        %dma_start3A_25 = tpu.memref_slice %arg3[%add3A_22, %dma_start3A] : memref<1250x128xi32, #tpu.memory_space<hbm>> -> memref<1x128xi32, #tpu.memory_space<hbm>>
        %dma_start3A_26 = tpu.memref_squeeze %dma_start3A_25 : memref<1x128xi32, #tpu.memory_space<hbm>> -> memref<128xi32, #tpu.memory_space<hbm>>
        %dma_start3A_27 = arith.constant 0 : i32
        %dma_start3A_28 = tpu.memref_slice %arg3[%add3A_22, %dma_start3A_27] : memref<1250x128xi32, #tpu.memory_space<hbm>> -> memref<1x128xi32, #tpu.memory_space<hbm>>
        %dma_start3A_29 = tpu.memref_squeeze %dma_start3A_28 : memref<1x128xi32, #tpu.memory_space<hbm>> -> memref<128xi32, #tpu.memory_space<hbm>>
        tpu.enqueue_dma source(%dma_start3A_29 : memref<128xi32, #tpu.memory_space<hbm>>) target(%arg7 : memref<128xi32, #tpu.memory_space<vmem>>) target_semaphore(%run_scoped3A : memref<!tpu.dma_semaphore, #tpu.memory_space<semaphore_mem>>)
        %dma_wait3A = arith.constant 0 : i32
        %dma_wait3A_30 = tpu.memref_slice %arg3[%add3A_22, %dma_wait3A] : memref<1250x128xi32, #tpu.memory_space<hbm>> -> memref<1x128xi32, #tpu.memory_space<hbm>>
        %dma_wait3A_31 = tpu.memref_squeeze %dma_wait3A_30 : memref<1x128xi32, #tpu.memory_space<hbm>> -> memref<128xi32, #tpu.memory_space<hbm>>
        %dma_wait3A_32 = arith.constant 0 : i32
        %dma_wait3A_33 = tpu.memref_slice %arg3[%add3A_22, %dma_wait3A_32] : memref<1250x128xi32, #tpu.memory_space<hbm>> -> memref<1x128xi32, #tpu.memory_space<hbm>>
        %dma_wait3A_34 = tpu.memref_squeeze %dma_wait3A_33 : memref<1x128xi32, #tpu.memory_space<hbm>> -> memref<128xi32, #tpu.memory_space<hbm>>
        tpu.wait_dma2 semaphore(%run_scoped3A : memref<!tpu.dma_semaphore, #tpu.memory_space<semaphore_mem>>) src(%dma_wait3A_34 : memref<128xi32, #tpu.memory_space<hbm>>) dst(%arg7 : memref<128xi32, #tpu.memory_space<vmem>>)
        tpu.yield
      }) : () -> ()
      %mul3A_23 = arith.constant 128 : i32
      %mul3A_24 = arith.muli %add3A_22, %mul3A_23 : i32
      "tpu.region"() ({
        %run_scoped3A = tpu.sem_alloc : memref<!tpu.dma_semaphore, #tpu.memory_space<semaphore_mem>>
        %dma_start3A = arith.constant 0 : i32
        %dma_start3A_25 = tpu.memref_slice %arg2[%mul3A_24, %dma_start3A] : memref<160000x32xf32, #tpu.memory_space<hbm>> -> memref<128x32xf32, #tpu.memory_space<hbm>>
        %dma_start3A_26 = arith.constant 0 : i32
        %dma_start3A_27 = tpu.memref_slice %arg2[%mul3A_24, %dma_start3A_26] : memref<160000x32xf32, #tpu.memory_space<hbm>> -> memref<128x32xf32, #tpu.memory_space<hbm>>
        tpu.enqueue_dma source(%dma_start3A_27 : memref<128x32xf32, #tpu.memory_space<hbm>>) target(%arg8 : memref<128x32xf32, #tpu.memory_space<vmem>>) target_semaphore(%run_scoped3A : memref<!tpu.dma_semaphore, #tpu.memory_space<semaphore_mem>>)
        %dma_wait3A = arith.constant 0 : i32
        %dma_wait3A_28 = tpu.memref_slice %arg2[%mul3A_24, %dma_wait3A] : memref<160000x32xf32, #tpu.memory_space<hbm>> -> memref<128x32xf32, #tpu.memory_space<hbm>>
        %dma_wait3A_29 = arith.constant 0 : i32
        %dma_wait3A_30 = tpu.memref_slice %arg2[%mul3A_24, %dma_wait3A_29] : memref<160000x32xf32, #tpu.memory_space<hbm>> -> memref<128x32xf32, #tpu.memory_space<hbm>>
        tpu.wait_dma2 semaphore(%run_scoped3A : memref<!tpu.dma_semaphore, #tpu.memory_space<semaphore_mem>>) src(%dma_wait3A_30 : memref<128x32xf32, #tpu.memory_space<hbm>>) dst(%arg8 : memref<128x32xf32, #tpu.memory_space<vmem>>)
        tpu.yield
      }) : () -> ()
      "tpu.region"() ({
        %run_scoped3A = tpu.sem_alloc : memref<!tpu.dma_semaphore, #tpu.memory_space<semaphore_mem>>
        %dma_start3A = arith.constant 0 : i32
        %dma_start3A_25 = arith.constant 0 : i32
        %dma_start3A_26 = tpu.memref_slice %arg6[%dma_start3A, %dma_start3A_25] : memref<10000x32xf32, #tpu.memory_space<vmem_shared>> -> memref<10000x32xf32, #tpu.memory_space<vmem_shared>>
        tpu.enqueue_indirect_dma source(%arg8 : memref<128x32xf32, #tpu.memory_space<vmem>>) target(%dma_start3A_26 : memref<10000x32xf32, #tpu.memory_space<vmem_shared>>) offsets(%arg7 : memref<128xi32, #tpu.memory_space<vmem>>) semaphore(%run_scoped3A : memref<!tpu.dma_semaphore, #tpu.memory_space<semaphore_mem>>) {add = true}
        %dma_wait3A = arith.constant 0 : i32
        %dma_wait3A_27 = arith.constant 0 : i32
        %dma_wait3A_28 = tpu.memref_slice %arg6[%dma_wait3A, %dma_wait3A_27] : memref<10000x32xf32, #tpu.memory_space<vmem_shared>> -> memref<10000x32xf32, #tpu.memory_space<vmem_shared>>
        tpu.wait_indirect_dma semaphore(%run_scoped3A : memref<!tpu.dma_semaphore, #tpu.memory_space<semaphore_mem>>) src(%arg8 : memref<128x32xf32, #tpu.memory_space<vmem>>) dst(%dma_wait3A_28 : memref<10000x32xf32, #tpu.memory_space<vmem_shared>>)
        tpu.yield
      }) : () -> ()
    }
    %while3A_13 = arith.constant 1 : i32
    scf.for %while3A_19 = %while3A_11 to %while3A_7 step %while3A_13  : i32 {
      %mul3A_20 = arith.constant 32 : i32
      %mul3A_21 = arith.muli %while3A_19, %mul3A_20 : i32
      %add3A_22 = arith.addi %add3A, %mul3A_21 : i32
      "tpu.region"() ({
        %run_scoped3A = tpu.sem_alloc : memref<!tpu.dma_semaphore, #tpu.memory_space<semaphore_mem>>
        %dma_start3A = arith.constant 0 : i32
        %dma_start3A_25 = tpu.memref_slice %arg3[%add3A_22, %dma_start3A] : memref<1250x128xi32, #tpu.memory_space<hbm>> -> memref<1x128xi32, #tpu.memory_space<hbm>>
        %dma_start3A_26 = tpu.memref_squeeze %dma_start3A_25 : memref<1x128xi32, #tpu.memory_space<hbm>> -> memref<128xi32, #tpu.memory_space<hbm>>
        %dma_start3A_27 = arith.constant 0 : i32
        %dma_start3A_28 = tpu.memref_slice %arg3[%add3A_22, %dma_start3A_27] : memref<1250x128xi32, #tpu.memory_space<hbm>> -> memref<1x128xi32, #tpu.memory_space<hbm>>
        %dma_start3A_29 = tpu.memref_squeeze %dma_start3A_28 : memref<1x128xi32, #tpu.memory_space<hbm>> -> memref<128xi32, #tpu.memory_space<hbm>>
        tpu.enqueue_dma source(%dma_start3A_29 : memref<128xi32, #tpu.memory_space<hbm>>) target(%arg7 : memref<128xi32, #tpu.memory_space<vmem>>) target_semaphore(%run_scoped3A : memref<!tpu.dma_semaphore, #tpu.memory_space<semaphore_mem>>)
        %dma_wait3A = arith.constant 0 : i32
        %dma_wait3A_30 = tpu.memref_slice %arg3[%add3A_22, %dma_wait3A] : memref<1250x128xi32, #tpu.memory_space<hbm>> -> memref<1x128xi32, #tpu.memory_space<hbm>>
        %dma_wait3A_31 = tpu.memref_squeeze %dma_wait3A_30 : memref<1x128xi32, #tpu.memory_space<hbm>> -> memref<128xi32, #tpu.memory_space<hbm>>
        %dma_wait3A_32 = arith.constant 0 : i32
        %dma_wait3A_33 = tpu.memref_slice %arg3[%add3A_22, %dma_wait3A_32] : memref<1250x128xi32, #tpu.memory_space<hbm>> -> memref<1x128xi32, #tpu.memory_space<hbm>>
        %dma_wait3A_34 = tpu.memref_squeeze %dma_wait3A_33 : memref<1x128xi32, #tpu.memory_space<hbm>> -> memref<128xi32, #tpu.memory_space<hbm>>
        tpu.wait_dma2 semaphore(%run_scoped3A : memref<!tpu.dma_semaphore, #tpu.memory_space<semaphore_mem>>) src(%dma_wait3A_34 : memref<128xi32, #tpu.memory_space<hbm>>) dst(%arg7 : memref<128xi32, #tpu.memory_space<vmem>>)
        tpu.yield
      }) : () -> ()
      %mul3A_23 = arith.constant 128 : i32
      %mul3A_24 = arith.muli %add3A_22, %mul3A_23 : i32
      "tpu.region"() ({
        %run_scoped3A = tpu.sem_alloc : memref<!tpu.dma_semaphore, #tpu.memory_space<semaphore_mem>>
        %dma_start3A = arith.constant 0 : i32
        %dma_start3A_25 = tpu.memref_slice %arg2[%mul3A_24, %dma_start3A] : memref<160000x32xf32, #tpu.memory_space<hbm>> -> memref<128x32xf32, #tpu.memory_space<hbm>>
        %dma_start3A_26 = arith.constant 0 : i32
        %dma_start3A_27 = tpu.memref_slice %arg2[%mul3A_24, %dma_start3A_26] : memref<160000x32xf32, #tpu.memory_space<hbm>> -> memref<128x32xf32, #tpu.memory_space<hbm>>
        tpu.enqueue_dma source(%dma_start3A_27 : memref<128x32xf32, #tpu.memory_space<hbm>>) target(%arg8 : memref<128x32xf32, #tpu.memory_space<vmem>>) target_semaphore(%run_scoped3A : memref<!tpu.dma_semaphore, #tpu.memory_space<semaphore_mem>>)
        %dma_wait3A = arith.constant 0 : i32
        %dma_wait3A_28 = tpu.memref_slice %arg2[%mul3A_24, %dma_wait3A] : memref<160000x32xf32, #tpu.memory_space<hbm>> -> memref<128x32xf32, #tpu.memory_space<hbm>>
        %dma_wait3A_29 = arith.constant 0 : i32
        %dma_wait3A_30 = tpu.memref_slice %arg2[%mul3A_24, %dma_wait3A_29] : memref<160000x32xf32, #tpu.memory_space<hbm>> -> memref<128x32xf32, #tpu.memory_space<hbm>>
        tpu.wait_dma2 semaphore(%run_scoped3A : memref<!tpu.dma_semaphore, #tpu.memory_space<semaphore_mem>>) src(%dma_wait3A_30 : memref<128x32xf32, #tpu.memory_space<hbm>>) dst(%arg8 : memref<128x32xf32, #tpu.memory_space<vmem>>)
        tpu.yield
      }) : () -> ()
      "tpu.region"() ({
        %run_scoped3A = tpu.sem_alloc : memref<!tpu.dma_semaphore, #tpu.memory_space<semaphore_mem>>
        %dma_start3A = arith.constant 0 : i32
        %dma_start3A_25 = arith.constant 0 : i32
        %dma_start3A_26 = tpu.memref_slice %arg6[%dma_start3A, %dma_start3A_25] : memref<10000x32xf32, #tpu.memory_space<vmem_shared>> -> memref<10000x32xf32, #tpu.memory_space<vmem_shared>>
        tpu.enqueue_indirect_dma source(%arg8 : memref<128x32xf32, #tpu.memory_space<vmem>>) target(%dma_start3A_26 : memref<10000x32xf32, #tpu.memory_space<vmem_shared>>) offsets(%arg7 : memref<128xi32, #tpu.memory_space<vmem>>) semaphore(%run_scoped3A : memref<!tpu.dma_semaphore, #tpu.memory_space<semaphore_mem>>) {add = true}
        %dma_wait3A = arith.constant 0 : i32
        %dma_wait3A_27 = arith.constant 0 : i32
        %dma_wait3A_28 = tpu.memref_slice %arg6[%dma_wait3A, %dma_wait3A_27] : memref<10000x32xf32, #tpu.memory_space<vmem_shared>> -> memref<10000x32xf32, #tpu.memory_space<vmem_shared>>
        tpu.wait_indirect_dma semaphore(%run_scoped3A : memref<!tpu.dma_semaphore, #tpu.memory_space<semaphore_mem>>) src(%arg8 : memref<128x32xf32, #tpu.memory_space<vmem>>) dst(%dma_wait3A_28 : memref<10000x32xf32, #tpu.memory_space<vmem_shared>>)
        tpu.yield
      }) : () -> ()
    }
    %barrier3A_14 = arith.constant 0 : index
    tpu.barrier barrier_id(%barrier3A_14)
    %mul3A_15 = arith.constant 625 : i32
    %mul3A_16 = arith.muli %arg1, %mul3A_15 : i32
    %mul3A_17 = arith.constant 625 : i32
    %mul3A_18 = arith.muli %arg1, %mul3A_17 : i32
    "tpu.region"() ({
      %run_scoped3A = tpu.sem_alloc : memref<!tpu.dma_semaphore, #tpu.memory_space<semaphore_mem>>
      %dma_start3A = arith.constant 0 : i32
      %dma_start3A_19 = tpu.memref_slice %arg5[%arg0, %mul3A_18, %dma_start3A] : memref<2x10000x32xf32, #tpu.memory_space<hbm>> -> memref<1x625x32xf32, #tpu.memory_space<hbm>>
      %dma_start3A_20 = tpu.memref_squeeze %dma_start3A_19 : memref<1x625x32xf32, #tpu.memory_space<hbm>> -> memref<625x32xf32, #tpu.memory_space<hbm>>
      %dma_start3A_21 = arith.constant 0 : i32
      %dma_start3A_22 = tpu.memref_slice %arg6[%mul3A_16, %dma_start3A_21] : memref<10000x32xf32, #tpu.memory_space<vmem_shared>> -> memref<625x32xf32, #tpu.memory_space<vmem_shared>>
      tpu.enqueue_dma source(%dma_start3A_22 : memref<625x32xf32, #tpu.memory_space<vmem_shared>>) target(%dma_start3A_20 : memref<625x32xf32, #tpu.memory_space<hbm>>) target_semaphore(%run_scoped3A : memref<!tpu.dma_semaphore, #tpu.memory_space<semaphore_mem>>)
      %dma_wait3A = arith.constant 0 : i32
      %dma_wait3A_23 = tpu.memref_slice %arg5[%arg0, %mul3A_18, %dma_wait3A] : memref<2x10000x32xf32, #tpu.memory_space<hbm>> -> memref<1x625x32xf32, #tpu.memory_space<hbm>>
      %dma_wait3A_24 = tpu.memref_squeeze %dma_wait3A_23 : memref<1x625x32xf32, #tpu.memory_space<hbm>> -> memref<625x32xf32, #tpu.memory_space<hbm>>
      %dma_wait3A_25 = arith.constant 0 : i32
      %dma_wait3A_26 = tpu.memref_slice %arg6[%mul3A_16, %dma_wait3A_25] : memref<10000x32xf32, #tpu.memory_space<vmem_shared>> -> memref<625x32xf32, #tpu.memory_space<vmem_shared>>
      tpu.wait_dma2 semaphore(%run_scoped3A : memref<!tpu.dma_semaphore, #tpu.memory_space<semaphore_mem>>) src(%dma_wait3A_26 : memref<625x32xf32, #tpu.memory_space<vmem_shared>>) dst(%dma_wait3A_24 : memref<625x32xf32, #tpu.memory_space<hbm>>)
      tpu.yield
    }) : () -> ()
    return
  }
}

module attributes {stable_mosaic.version = 14 : i64} {
  func.func @_proj_body(%arg0: i32, %arg1: memref<2000x128xf32, #tpu.memory_space<vmem>>, %arg2: memref<2000x1xi32, #tpu.memory_space<vmem>>, %arg3: memref<32x64xf32, #tpu.memory_space<vmem>>, %arg4: memref<128x32xf32, #tpu.memory_space<vmem>>, %arg5: memref<1x32xf32, #tpu.memory_space<vmem>>, %arg6: memref<64x32xf32, #tpu.memory_space<vmem>>, %arg7: memref<1x32xf32, #tpu.memory_space<vmem>>, %arg8: memref<2000x32xf32, #tpu.memory_space<vmem>>, %arg9: memref<2000x32xf32, #tpu.memory_space<vmem>>) attributes {dimension_semantics = [#tpu.dimension_semantics<arbitrary>], iteration_bounds = array<i64: 5>, scalar_prefetch = 0 : i64, scratch_operands = 0 : i64, tpu.core_type = #tpu.core_type<tc>, window_params = [{transform_indices = @transform_0, window_bounds = array<i64: 2000, 128>}, {transform_indices = @transform_1, window_bounds = array<i64: 2000, 1>}, {pipeline_mode = #tpu.pipeline_mode<synchronous>, transform_indices = @transform_2, window_bounds = array<i64: 32, 64>}, {pipeline_mode = #tpu.pipeline_mode<synchronous>, transform_indices = @transform_3, window_bounds = array<i64: 128, 32>}, {pipeline_mode = #tpu.pipeline_mode<synchronous>, transform_indices = @transform_4, window_bounds = array<i64: 1, 32>}, {pipeline_mode = #tpu.pipeline_mode<synchronous>, transform_indices = @transform_5, window_bounds = array<i64: 64, 32>}, {pipeline_mode = #tpu.pipeline_mode<synchronous>, transform_indices = @transform_6, window_bounds = array<i64: 1, 32>}, {transform_indices = @transform_7, window_bounds = array<i64: 2000, 32>}, {transform_indices = @transform_8, window_bounds = array<i64: 2000, 32>}]} {
    %get3A = arith.constant 0 : index
    %get3A_0 = arith.constant 0 : index
    %get3A_1 = vector.load %arg1[%get3A, %get3A_0] : memref<2000x128xf32, #tpu.memory_space<vmem>>, vector<2000x128xf32>
    %get3A_2 = arith.constant 0 : index
    %get3A_3 = arith.constant 0 : index
    %get3A_4 = vector.load %arg4[%get3A_2, %get3A_3] : memref<128x32xf32, #tpu.memory_space<vmem>>, vector<128x32xf32>
    %convert_element_type3A = arith.truncf %get3A_1 : vector<2000x128xf32> to vector<2000x128xbf16>
    %convert_element_type3A_5 = arith.truncf %get3A_4 : vector<128x32xf32> to vector<128x32xbf16>
    %dot_general3A = arith.constant dense<0.000000e+00> : vector<2000x32xf32>
    %dot_general3A_6 = tpu.matmul %convert_element_type3A, %convert_element_type3A_5, %dot_general3A {dimension_numbers = #tpu.dot_dimension_numbers<[1], [0], [0], [1], [0, 0, 1, 1], [], []>, transpose_lhs_hint = false} : vector<2000x128xbf16>, vector<128x32xbf16>, vector<2000x32xf32> -> vector<2000x32xf32>
    %get3A_7 = arith.constant 0 : index
    %get3A_8 = arith.constant 0 : index
    %get3A_9 = vector.load %arg5[%get3A_7, %get3A_8] : memref<1x32xf32, #tpu.memory_space<vmem>>, vector<1x32xf32>
    %add3A = vector.broadcast %get3A_9 : vector<1x32xf32> to vector<2000x32xf32>
    %add3A_10 = arith.addf %dot_general3A_6, %add3A : vector<2000x32xf32>
    %max3A = arith.constant 0.000000e+00 : f32
    %max3A_11 = vector.broadcast %max3A : f32 to vector<2000x32xf32>
    %max3A_12 = arith.maximumf %add3A_10, %max3A_11 : vector<2000x32xf32>
    %swap3A = arith.constant 0 : index
    %swap3A_13 = arith.constant 0 : index
    %swap3A_14 = vector.load %arg8[%swap3A, %swap3A_13] : memref<2000x32xf32, #tpu.memory_space<vmem>>, vector<2000x32xf32>
    tpu.vector_store %arg8[%swap3A, %swap3A_13], %max3A_12 {strides = array<i32>} : memref<2000x32xf32, #tpu.memory_space<vmem>>, vector<2000x32xf32>,
    %get3A_15 = arith.constant 0 : index
    %get3A_16 = arith.constant 0 : index
    %get3A_17 = vector.load %arg3[%get3A_15, %get3A_16] : memref<32x64xf32, #tpu.memory_space<vmem>>, vector<32x64xf32>
    %get3A_18 = arith.constant 0 : index
    %get3A_19 = arith.constant 0 : index
    %get3A_20 = vector.load %arg6[%get3A_18, %get3A_19] : memref<64x32xf32, #tpu.memory_space<vmem>>, vector<64x32xf32>
    %convert_element_type3A_21 = arith.truncf %get3A_17 : vector<32x64xf32> to vector<32x64xbf16>
    %convert_element_type3A_22 = arith.truncf %get3A_20 : vector<64x32xf32> to vector<64x32xbf16>
    %dot_general3A_23 = arith.constant dense<0.000000e+00> : vector<32x32xf32>
    %dot_general3A_24 = tpu.matmul %convert_element_type3A_21, %convert_element_type3A_22, %dot_general3A_23 {dimension_numbers = #tpu.dot_dimension_numbers<[1], [0], [0], [1], [0, 0, 1, 1], [], []>, transpose_lhs_hint = false} : vector<32x64xbf16>, vector<64x32xbf16>, vector<32x32xf32> -> vector<32x32xf32>
    %get3A_25 = arith.constant 0 : index
    %get3A_26 = arith.constant 0 : index
    %get3A_27 = vector.load %arg2[%get3A_25, %get3A_26] : memref<2000x1xi32, #tpu.memory_space<vmem>>, vector<2000x1xi32>
    %iota3A = tpu.iota {dimensions = array<i32: 1>} : vector<2000x32xi32>
    %eq3A = vector.broadcast %get3A_27 : vector<2000x1xi32> to vector<2000x32xi32>
    %eq3A_28 = arith.cmpi eq, %iota3A, %eq3A : vector<2000x32xi32>
    %convert_element_type3A_29 = arith.extui %eq3A_28 : vector<2000x32xi1> to vector<2000x32xi32>
    %convert_element_type3A_30 = arith.sitofp %convert_element_type3A_29 : vector<2000x32xi32> to vector<2000x32xf32>
    %dot_general3A_31 = arith.constant dense<0.000000e+00> : vector<2000x32xf32>
    %dot_general3A_32 = tpu.matmul %convert_element_type3A_30, %dot_general3A_24, %dot_general3A_31 {dimension_numbers = #tpu.dot_dimension_numbers<[1], [0], [0], [1], [0, 0, 1, 1], [], []>, transpose_lhs_hint = false} : vector<2000x32xf32>, vector<32x32xf32>, vector<2000x32xf32> -> vector<2000x32xf32>
    %get3A_33 = arith.constant 0 : index
    %get3A_34 = arith.constant 0 : index
    %get3A_35 = vector.load %arg7[%get3A_33, %get3A_34] : memref<1x32xf32, #tpu.memory_space<vmem>>, vector<1x32xf32>
    %add3A_36 = vector.broadcast %get3A_35 : vector<1x32xf32> to vector<2000x32xf32>
    %add3A_37 = arith.addf %dot_general3A_32, %add3A_36 : vector<2000x32xf32>
    %max3A_38 = arith.constant 0.000000e+00 : f32
    %max3A_39 = vector.broadcast %max3A_38 : f32 to vector<2000x32xf32>
    %max3A_40 = arith.maximumf %add3A_37, %max3A_39 : vector<2000x32xf32>
    %swap3A_41 = arith.constant 0 : index
    %swap3A_42 = arith.constant 0 : index
    %swap3A_43 = vector.load %arg9[%swap3A_41, %swap3A_42] : memref<2000x32xf32, #tpu.memory_space<vmem>>, vector<2000x32xf32>
    tpu.vector_store %arg9[%swap3A_41, %swap3A_42], %max3A_40 {strides = array<i32>} : memref<2000x32xf32, #tpu.memory_space<vmem>>, vector<2000x32xf32>,
    return
  }
  func.func @transform_0(%arg0: i32) -> (i32, i32) {
    %c0_i32 = arith.constant 0 : i32
    %c0_i32_0 = arith.constant 0 : i32
    return %arg0, %c0_i32 : i32, i32
  }
  func.func @transform_1(%arg0: i32) -> (i32, i32) {
    %c0_i32 = arith.constant 0 : i32
    %c0_i32_0 = arith.constant 0 : i32
    return %arg0, %c0_i32 : i32, i32
  }
  func.func @transform_2(%arg0: i32) -> (i32, i32) {
    %c0_i32 = arith.constant 0 : i32
    %c0_i32_0 = arith.constant 0 : i32
    %c0_i32_1 = arith.constant 0 : i32
    return %c0_i32, %c0_i32_0 : i32, i32
  }
  func.func @transform_3(%arg0: i32) -> (i32, i32) {
    %c0_i32 = arith.constant 0 : i32
    %c0_i32_0 = arith.constant 0 : i32
    %c0_i32_1 = arith.constant 0 : i32
    return %c0_i32, %c0_i32_0 : i32, i32
  }
  func.func @transform_4(%arg0: i32) -> (i32, i32) {
    %c0_i32 = arith.constant 0 : i32
    %c0_i32_0 = arith.constant 0 : i32
    %c0_i32_1 = arith.constant 0 : i32
    return %c0_i32, %c0_i32_0 : i32, i32
  }
  func.func @transform_5(%arg0: i32) -> (i32, i32) {
    %c0_i32 = arith.constant 0 : i32
    %c0_i32_0 = arith.constant 0 : i32
    %c0_i32_1 = arith.constant 0 : i32
    return %c0_i32, %c0_i32_0 : i32, i32
  }
  func.func @transform_6(%arg0: i32) -> (i32, i32) {
    %c0_i32 = arith.constant 0 : i32
    %c0_i32_0 = arith.constant 0 : i32
    %c0_i32_1 = arith.constant 0 : i32
    return %c0_i32, %c0_i32_0 : i32, i32
  }
  func.func @transform_7(%arg0: i32) -> (i32, i32) {
    %c0_i32 = arith.constant 0 : i32
    %c0_i32_0 = arith.constant 0 : i32
    return %arg0, %c0_i32 : i32, i32
  }
  func.func @transform_8(%arg0: i32) -> (i32, i32) {
    %c0_i32 = arith.constant 0 : i32
    %c0_i32_0 = arith.constant 0 : i32
    return %arg0, %c0_i32 : i32, i32
  }
}

module attributes {stable_mosaic.version = 14 : i64} {
  func.func @_msg_body(%arg0: i32, %arg1: memref<2000x16xf32, #tpu.memory_space<vmem>>, %arg2: memref<2000x32xf32, #tpu.memory_space<vmem>>, %arg3: memref<16x128xf32, #tpu.memory_space<vmem>>, %arg4: memref<1x128xf32, #tpu.memory_space<vmem>>, %arg5: memref<128x1024xf32, #tpu.memory_space<vmem>>, %arg6: memref<1x1024xf32, #tpu.memory_space<vmem>>, %arg7: memref<32x1024xf32, #tpu.memory_space<vmem>>, %arg8: memref<2000x32xf32, #tpu.memory_space<vmem>>) attributes {dimension_semantics = [#tpu.dimension_semantics<arbitrary>], iteration_bounds = array<i64: 80>, scalar_prefetch = 0 : i64, scratch_operands = 0 : i64, tpu.core_type = #tpu.core_type<tc>, window_params = [{transform_indices = @transform_0, window_bounds = array<i64: 2000, 16>}, {transform_indices = @transform_1, window_bounds = array<i64: 2000, 32>}, {pipeline_mode = #tpu.pipeline_mode<synchronous>, transform_indices = @transform_2, window_bounds = array<i64: 16, 128>}, {pipeline_mode = #tpu.pipeline_mode<synchronous>, transform_indices = @transform_3, window_bounds = array<i64: 1, 128>}, {pipeline_mode = #tpu.pipeline_mode<synchronous>, transform_indices = @transform_4, window_bounds = array<i64: 128, 1024>}, {pipeline_mode = #tpu.pipeline_mode<synchronous>, transform_indices = @transform_5, window_bounds = array<i64: 1, 1024>}, {pipeline_mode = #tpu.pipeline_mode<synchronous>, transform_indices = @transform_6, window_bounds = array<i64: 32, 1024>}, {transform_indices = @transform_7, window_bounds = array<i64: 2000, 32>}]} {
    %get3A = arith.constant 0 : index
    %get3A_0 = arith.constant 0 : index
    %get3A_1 = vector.load %arg1[%get3A, %get3A_0] : memref<2000x16xf32, #tpu.memory_space<vmem>>, vector<2000x16xf32>
    %get3A_2 = arith.constant 0 : index
    %get3A_3 = arith.constant 0 : index
    %get3A_4 = vector.load %arg3[%get3A_2, %get3A_3] : memref<16x128xf32, #tpu.memory_space<vmem>>, vector<16x128xf32>
    %convert_element_type3A = arith.truncf %get3A_1 : vector<2000x16xf32> to vector<2000x16xbf16>
    %convert_element_type3A_5 = arith.truncf %get3A_4 : vector<16x128xf32> to vector<16x128xbf16>
    %dot_general3A = arith.constant dense<0.000000e+00> : vector<2000x128xf32>
    %dot_general3A_6 = tpu.matmul %convert_element_type3A, %convert_element_type3A_5, %dot_general3A {dimension_numbers = #tpu.dot_dimension_numbers<[1], [0], [0], [1], [0, 0, 1, 1], [], []>, transpose_lhs_hint = false} : vector<2000x16xbf16>, vector<16x128xbf16>, vector<2000x128xf32> -> vector<2000x128xf32>
    %get3A_7 = arith.constant 0 : index
    %get3A_8 = arith.constant 0 : index
    %get3A_9 = vector.load %arg4[%get3A_7, %get3A_8] : memref<1x128xf32, #tpu.memory_space<vmem>>, vector<1x128xf32>
    %add3A = vector.broadcast %get3A_9 : vector<1x128xf32> to vector<2000x128xf32>
    %add3A_10 = arith.addf %dot_general3A_6, %add3A : vector<2000x128xf32>
    %max3A = arith.constant 0.000000e+00 : f32
    %max3A_11 = vector.broadcast %max3A : f32 to vector<2000x128xf32>
    %max3A_12 = arith.maximumf %add3A_10, %max3A_11 : vector<2000x128xf32>
    %get3A_13 = arith.constant 0 : index
    %get3A_14 = arith.constant 0 : index
    %get3A_15 = vector.load %arg5[%get3A_13, %get3A_14] : memref<128x1024xf32, #tpu.memory_space<vmem>>, vector<128x1024xf32>
    %convert_element_type3A_16 = arith.truncf %max3A_12 : vector<2000x128xf32> to vector<2000x128xbf16>
    %convert_element_type3A_17 = arith.truncf %get3A_15 : vector<128x1024xf32> to vector<128x1024xbf16>
    %dot_general3A_18 = arith.constant dense<0.000000e+00> : vector<2000x1024xf32>
    %dot_general3A_19 = tpu.matmul %convert_element_type3A_16, %convert_element_type3A_17, %dot_general3A_18 {dimension_numbers = #tpu.dot_dimension_numbers<[1], [0], [0], [1], [0, 0, 1, 1], [], []>, transpose_lhs_hint = false} : vector<2000x128xbf16>, vector<128x1024xbf16>, vector<2000x1024xf32> -> vector<2000x1024xf32>
    %get3A_20 = arith.constant 0 : index
    %get3A_21 = arith.constant 0 : index
    %get3A_22 = vector.load %arg6[%get3A_20, %get3A_21] : memref<1x1024xf32, #tpu.memory_space<vmem>>, vector<1x1024xf32>
    %add3A_23 = vector.broadcast %get3A_22 : vector<1x1024xf32> to vector<2000x1024xf32>
    %add3A_24 = arith.addf %dot_general3A_19, %add3A_23 : vector<2000x1024xf32>
    %get3A_25 = arith.constant 0 : index
    %get3A_26 = arith.constant 0 : index
    %get3A_27 = vector.load %arg2[%get3A_25, %get3A_26] : memref<2000x32xf32, #tpu.memory_space<vmem>>, vector<2000x32xf32>
    %get3A_28 = arith.constant 0 : index
    %get3A_29 = arith.constant 0 : index
    %get3A_30 = vector.load %arg7[%get3A_28, %get3A_29] : memref<32x1024xf32, #tpu.memory_space<vmem>>, vector<32x1024xf32>
    %convert_element_type3A_31 = arith.truncf %get3A_27 : vector<2000x32xf32> to vector<2000x32xbf16>
    %convert_element_type3A_32 = arith.truncf %get3A_30 : vector<32x1024xf32> to vector<32x1024xbf16>
    %dot_general3A_33 = arith.constant dense<0.000000e+00> : vector<2000x1024xf32>
    %dot_general3A_34 = tpu.matmul %convert_element_type3A_31, %convert_element_type3A_32, %dot_general3A_33 {dimension_numbers = #tpu.dot_dimension_numbers<[1], [0], [0], [1], [0, 0, 1, 1], [], []>, transpose_lhs_hint = false} : vector<2000x32xbf16>, vector<32x1024xbf16>, vector<2000x1024xf32> -> vector<2000x1024xf32>
    %convert_element_type3A_35 = arith.truncf %add3A_24 : vector<2000x1024xf32> to vector<2000x1024xbf16>
    %convert_element_type3A_36 = arith.extf %convert_element_type3A_35 : vector<2000x1024xbf16> to vector<2000x1024xf32>
    %mul3A = arith.mulf %convert_element_type3A_36, %dot_general3A_34 : vector<2000x1024xf32>
    %slice3A = vector.extract_strided_slice %mul3A {offsets = [0, 0], sizes = [2000, 512], strides = [1, 1]} : vector<2000x1024xf32> to vector<2000x512xf32>
    %slice3A_37 = vector.extract_strided_slice %mul3A {offsets = [0, 512], sizes = [2000, 512], strides = [1, 1]} : vector<2000x1024xf32> to vector<2000x512xf32>
    %add3A_38 = arith.addf %slice3A, %slice3A_37 : vector<2000x512xf32>
    %slice3A_39 = vector.extract_strided_slice %add3A_38 {offsets = [0, 0], sizes = [2000, 256], strides = [1, 1]} : vector<2000x512xf32> to vector<2000x256xf32>
    %slice3A_40 = vector.extract_strided_slice %add3A_38 {offsets = [0, 256], sizes = [2000, 256], strides = [1, 1]} : vector<2000x512xf32> to vector<2000x256xf32>
    %add3A_41 = arith.addf %slice3A_39, %slice3A_40 : vector<2000x256xf32>
    %slice3A_42 = vector.extract_strided_slice %add3A_41 {offsets = [0, 0], sizes = [2000, 128], strides = [1, 1]} : vector<2000x256xf32> to vector<2000x128xf32>
    %slice3A_43 = vector.extract_strided_slice %add3A_41 {offsets = [0, 128], sizes = [2000, 128], strides = [1, 1]} : vector<2000x256xf32> to vector<2000x128xf32>
    %add3A_44 = arith.addf %slice3A_42, %slice3A_43 : vector<2000x128xf32>
    %slice3A_45 = vector.extract_strided_slice %add3A_44 {offsets = [0, 0], sizes = [2000, 32], strides = [1, 1]} : vector<2000x128xf32> to vector<2000x32xf32>
    %slice3A_46 = vector.extract_strided_slice %add3A_44 {offsets = [0, 32], sizes = [2000, 32], strides = [1, 1]} : vector<2000x128xf32> to vector<2000x32xf32>
    %add3A_47 = arith.addf %slice3A_45, %slice3A_46 : vector<2000x32xf32>
    %slice3A_48 = vector.extract_strided_slice %add3A_44 {offsets = [0, 64], sizes = [2000, 32], strides = [1, 1]} : vector<2000x128xf32> to vector<2000x32xf32>
    %slice3A_49 = vector.extract_strided_slice %add3A_44 {offsets = [0, 96], sizes = [2000, 32], strides = [1, 1]} : vector<2000x128xf32> to vector<2000x32xf32>
    %add3A_50 = arith.addf %slice3A_48, %slice3A_49 : vector<2000x32xf32>
    %add3A_51 = arith.addf %add3A_47, %add3A_50 : vector<2000x32xf32>
    %swap3A = arith.constant 0 : index
    %swap3A_52 = arith.constant 0 : index
    %swap3A_53 = vector.load %arg8[%swap3A, %swap3A_52] : memref<2000x32xf32, #tpu.memory_space<vmem>>, vector<2000x32xf32>
    tpu.vector_store %arg8[%swap3A, %swap3A_52], %add3A_51 {strides = array<i32>} : memref<2000x32xf32, #tpu.memory_space<vmem>>, vector<2000x32xf32>,
    return
  }
  func.func @transform_0(%arg0: i32) -> (i32, i32) {
    %c0_i32 = arith.constant 0 : i32
    %c0_i32_0 = arith.constant 0 : i32
    return %arg0, %c0_i32 : i32, i32
  }
  func.func @transform_1(%arg0: i32) -> (i32, i32) {
    %c0_i32 = arith.constant 0 : i32
    %c0_i32_0 = arith.constant 0 : i32
    return %arg0, %c0_i32 : i32, i32
  }
  func.func @transform_2(%arg0: i32) -> (i32, i32) {
    %c0_i32 = arith.constant 0 : i32
    %c0_i32_0 = arith.constant 0 : i32
    %c0_i32_1 = arith.constant 0 : i32
    return %c0_i32, %c0_i32_0 : i32, i32
  }
  func.func @transform_3(%arg0: i32) -> (i32, i32) {
    %c0_i32 = arith.constant 0 : i32
    %c0_i32_0 = arith.constant 0 : i32
    %c0_i32_1 = arith.constant 0 : i32
    return %c0_i32, %c0_i32_0 : i32, i32
  }
  func.func @transform_4(%arg0: i32) -> (i32, i32) {
    %c0_i32 = arith.constant 0 : i32
    %c0_i32_0 = arith.constant 0 : i32
    %c0_i32_1 = arith.constant 0 : i32
    return %c0_i32, %c0_i32_0 : i32, i32
  }
  func.func @transform_5(%arg0: i32) -> (i32, i32) {
    %c0_i32 = arith.constant 0 : i32
    %c0_i32_0 = arith.constant 0 : i32
    %c0_i32_1 = arith.constant 0 : i32
    return %c0_i32, %c0_i32_0 : i32, i32
  }
  func.func @transform_6(%arg0: i32) -> (i32, i32) {
    %c0_i32 = arith.constant 0 : i32
    %c0_i32_0 = arith.constant 0 : i32
    %c0_i32_1 = arith.constant 0 : i32
    return %c0_i32, %c0_i32_0 : i32, i32
  }
  func.func @transform_7(%arg0: i32) -> (i32, i32) {
    %c0_i32 = arith.constant 0 : i32
    %c0_i32_0 = arith.constant 0 : i32
    return %arg0, %c0_i32 : i32, i32
  }
}

module attributes {stable_mosaic.version = 14 : i64} {
  func.func @_gru_body(%arg0: i32, %arg1: memref<2x2000x32xf32, #tpu.memory_space<vmem>>, %arg2: memref<1x32xf32, #tpu.memory_space<vmem>>, %arg3: memref<2000x32xf32, #tpu.memory_space<vmem>>, %arg4: memref<32x96xf32, #tpu.memory_space<vmem>>, %arg5: memref<1x96xf32, #tpu.memory_space<vmem>>, %arg6: memref<32x96xf32, #tpu.memory_space<vmem>>, %arg7: memref<1x96xf32, #tpu.memory_space<vmem>>, %arg8: memref<2000x32xf32, #tpu.memory_space<vmem>>) attributes {dimension_semantics = [#tpu.dimension_semantics<arbitrary>], iteration_bounds = array<i64: 5>, scalar_prefetch = 0 : i64, scratch_operands = 0 : i64, tpu.core_type = #tpu.core_type<tc>, window_params = [{transform_indices = @transform_0, window_bounds = array<i64: 2, 2000, 32>}, {pipeline_mode = #tpu.pipeline_mode<synchronous>, transform_indices = @transform_1, window_bounds = array<i64: 1, 32>}, {transform_indices = @transform_2, window_bounds = array<i64: 2000, 32>}, {pipeline_mode = #tpu.pipeline_mode<synchronous>, transform_indices = @transform_3, window_bounds = array<i64: 32, 96>}, {pipeline_mode = #tpu.pipeline_mode<synchronous>, transform_indices = @transform_4, window_bounds = array<i64: 1, 96>}, {pipeline_mode = #tpu.pipeline_mode<synchronous>, transform_indices = @transform_5, window_bounds = array<i64: 32, 96>}, {pipeline_mode = #tpu.pipeline_mode<synchronous>, transform_indices = @transform_6, window_bounds = array<i64: 1, 96>}, {transform_indices = @transform_7, window_bounds = array<i64: 2000, 32>}]} {
    %get3A = arith.constant 0 : index
    %get3A_0 = arith.constant 0 : index
    %get3A_1 = arith.constant 0 : index
    %get3A_2 = vector.load %arg1[%get3A, %get3A_0, %get3A_1] : memref<2x2000x32xf32, #tpu.memory_space<vmem>>, vector<1x2000x32xf32>
    %get3A_3 = vector.shape_cast %get3A_2 : vector<1x2000x32xf32> to vector<2000x32xf32>
    %get3A_4 = arith.constant 1 : index
    %get3A_5 = arith.constant 0 : index
    %get3A_6 = arith.constant 0 : index
    %get3A_7 = vector.load %arg1[%get3A_4, %get3A_5, %get3A_6] : memref<2x2000x32xf32, #tpu.memory_space<vmem>>, vector<1x2000x32xf32>
    %get3A_8 = vector.shape_cast %get3A_7 : vector<1x2000x32xf32> to vector<2000x32xf32>
    %add3A = arith.addf %get3A_3, %get3A_8 : vector<2000x32xf32>
    %get3A_9 = arith.constant 0 : index
    %get3A_10 = arith.constant 0 : index
    %get3A_11 = vector.load %arg2[%get3A_9, %get3A_10] : memref<1x32xf32, #tpu.memory_space<vmem>>, vector<1x32xf32>
    %add3A_12 = vector.broadcast %get3A_11 : vector<1x32xf32> to vector<2000x32xf32>
    %add3A_13 = arith.addf %add3A, %add3A_12 : vector<2000x32xf32>
    %max3A = arith.constant 0.000000e+00 : f32
    %max3A_14 = vector.broadcast %max3A : f32 to vector<2000x32xf32>
    %max3A_15 = arith.maximumf %add3A_13, %max3A_14 : vector<2000x32xf32>
    %get3A_16 = arith.constant 0 : index
    %get3A_17 = arith.constant 0 : index
    %get3A_18 = vector.load %arg3[%get3A_16, %get3A_17] : memref<2000x32xf32, #tpu.memory_space<vmem>>, vector<2000x32xf32>
    %get3A_19 = arith.constant 0 : index
    %get3A_20 = arith.constant 0 : index
    %get3A_21 = vector.load %arg4[%get3A_19, %get3A_20] : memref<32x96xf32, #tpu.memory_space<vmem>>, vector<32x96xf32>
    %convert_element_type3A = arith.truncf %max3A_15 : vector<2000x32xf32> to vector<2000x32xbf16>
    %convert_element_type3A_22 = arith.truncf %get3A_21 : vector<32x96xf32> to vector<32x96xbf16>
    %dot_general3A = arith.constant dense<0.000000e+00> : vector<2000x96xf32>
    %dot_general3A_23 = tpu.matmul %convert_element_type3A, %convert_element_type3A_22, %dot_general3A {dimension_numbers = #tpu.dot_dimension_numbers<[1], [0], [0], [1], [0, 0, 1, 1], [], []>, transpose_lhs_hint = false} : vector<2000x32xbf16>, vector<32x96xbf16>, vector<2000x96xf32> -> vector<2000x96xf32>
    %get3A_24 = arith.constant 0 : index
    %get3A_25 = arith.constant 0 : index
    %get3A_26 = vector.load %arg5[%get3A_24, %get3A_25] : memref<1x96xf32, #tpu.memory_space<vmem>>, vector<1x96xf32>
    %add3A_27 = vector.broadcast %get3A_26 : vector<1x96xf32> to vector<2000x96xf32>
    %add3A_28 = arith.addf %dot_general3A_23, %add3A_27 : vector<2000x96xf32>
    %get3A_29 = arith.constant 0 : index
    %get3A_30 = arith.constant 0 : index
    %get3A_31 = vector.load %arg6[%get3A_29, %get3A_30] : memref<32x96xf32, #tpu.memory_space<vmem>>, vector<32x96xf32>
    %convert_element_type3A_32 = arith.truncf %get3A_18 : vector<2000x32xf32> to vector<2000x32xbf16>
    %convert_element_type3A_33 = arith.truncf %get3A_31 : vector<32x96xf32> to vector<32x96xbf16>
    %dot_general3A_34 = arith.constant dense<0.000000e+00> : vector<2000x96xf32>
    %dot_general3A_35 = tpu.matmul %convert_element_type3A_32, %convert_element_type3A_33, %dot_general3A_34 {dimension_numbers = #tpu.dot_dimension_numbers<[1], [0], [0], [1], [0, 0, 1, 1], [], []>, transpose_lhs_hint = false} : vector<2000x32xbf16>, vector<32x96xbf16>, vector<2000x96xf32> -> vector<2000x96xf32>
    %get3A_36 = arith.constant 0 : index
    %get3A_37 = arith.constant 0 : index
    %get3A_38 = vector.load %arg7[%get3A_36, %get3A_37] : memref<1x96xf32, #tpu.memory_space<vmem>>, vector<1x96xf32>
    %add3A_39 = vector.broadcast %get3A_38 : vector<1x96xf32> to vector<2000x96xf32>
    %add3A_40 = arith.addf %dot_general3A_35, %add3A_39 : vector<2000x96xf32>
    %slice3A = vector.extract_strided_slice %add3A_28 {offsets = [0, 0], sizes = [2000, 32], strides = [1, 1]} : vector<2000x96xf32> to vector<2000x32xf32>
    %slice3A_41 = vector.extract_strided_slice %add3A_40 {offsets = [0, 0], sizes = [2000, 32], strides = [1, 1]} : vector<2000x96xf32> to vector<2000x32xf32>
    %add3A_42 = arith.addf %slice3A, %slice3A_41 : vector<2000x32xf32>
    %logistic3A = arith.negf %add3A_42 : vector<2000x32xf32>
    %logistic3A_43 = math.exp %logistic3A : vector<2000x32xf32>
    %logistic3A_44 = arith.constant 1.000000e+00 : f32
    %logistic3A_45 = vector.broadcast %logistic3A_44 : f32 to vector<2000x32xf32>
    %logistic3A_46 = arith.addf %logistic3A_45, %logistic3A_43 : vector<2000x32xf32>
    %logistic3A_47 = arith.divf %logistic3A_45, %logistic3A_46 : vector<2000x32xf32>
    %slice3A_48 = vector.extract_strided_slice %add3A_28 {offsets = [0, 32], sizes = [2000, 32], strides = [1, 1]} : vector<2000x96xf32> to vector<2000x32xf32>
    %slice3A_49 = vector.extract_strided_slice %add3A_40 {offsets = [0, 32], sizes = [2000, 32], strides = [1, 1]} : vector<2000x96xf32> to vector<2000x32xf32>
    %add3A_50 = arith.addf %slice3A_48, %slice3A_49 : vector<2000x32xf32>
    %logistic3A_51 = arith.negf %add3A_50 : vector<2000x32xf32>
    %logistic3A_52 = math.exp %logistic3A_51 : vector<2000x32xf32>
    %logistic3A_53 = arith.constant 1.000000e+00 : f32
    %logistic3A_54 = vector.broadcast %logistic3A_53 : f32 to vector<2000x32xf32>
    %logistic3A_55 = arith.addf %logistic3A_54, %logistic3A_52 : vector<2000x32xf32>
    %logistic3A_56 = arith.divf %logistic3A_54, %logistic3A_55 : vector<2000x32xf32>
    %slice3A_57 = vector.extract_strided_slice %add3A_28 {offsets = [0, 64], sizes = [2000, 32], strides = [1, 1]} : vector<2000x96xf32> to vector<2000x32xf32>
    %slice3A_58 = vector.extract_strided_slice %add3A_40 {offsets = [0, 64], sizes = [2000, 32], strides = [1, 1]} : vector<2000x96xf32> to vector<2000x32xf32>
    %mul3A = arith.mulf %logistic3A_47, %slice3A_58 : vector<2000x32xf32>
    %add3A_59 = arith.addf %slice3A_57, %mul3A : vector<2000x32xf32>
    %tanh3A = math.tanh %add3A_59 : vector<2000x32xf32>
    %sub3A = arith.constant 1.000000e+00 : f32
    %sub3A_60 = vector.broadcast %sub3A : f32 to vector<2000x32xf32>
    %sub3A_61 = arith.subf %sub3A_60, %logistic3A_56 : vector<2000x32xf32>
    %mul3A_62 = arith.mulf %sub3A_61, %tanh3A : vector<2000x32xf32>
    %mul3A_63 = arith.mulf %logistic3A_56, %get3A_18 : vector<2000x32xf32>
    %add3A_64 = arith.addf %mul3A_62, %mul3A_63 : vector<2000x32xf32>
    %swap3A = arith.constant 0 : index
    %swap3A_65 = arith.constant 0 : index
    %swap3A_66 = vector.load %arg8[%swap3A, %swap3A_65] : memref<2000x32xf32, #tpu.memory_space<vmem>>, vector<2000x32xf32>
    tpu.vector_store %arg8[%swap3A, %swap3A_65], %add3A_64 {strides = array<i32>} : memref<2000x32xf32, #tpu.memory_space<vmem>>, vector<2000x32xf32>,
    return
  }
  func.func @transform_0(%arg0: i32) -> (i32, i32, i32) {
    %c0_i32 = arith.constant 0 : i32
    %c0_i32_0 = arith.constant 0 : i32
    %c0_i32_1 = arith.constant 0 : i32
    return %c0_i32, %arg0, %c0_i32_0 : i32, i32, i32
  }
  func.func @transform_1(%arg0: i32) -> (i32, i32) {
    %c0_i32 = arith.constant 0 : i32
    %c0_i32_0 = arith.constant 0 : i32
    %c0_i32_1 = arith.constant 0 : i32
    return %c0_i32, %c0_i32_0 : i32, i32
  }
  func.func @transform_2(%arg0: i32) -> (i32, i32) {
    %c0_i32 = arith.constant 0 : i32
    %c0_i32_0 = arith.constant 0 : i32
    return %arg0, %c0_i32 : i32, i32
  }
  func.func @transform_3(%arg0: i32) -> (i32, i32) {
    %c0_i32 = arith.constant 0 : i32
    %c0_i32_0 = arith.constant 0 : i32
    %c0_i32_1 = arith.constant 0 : i32
    return %c0_i32, %c0_i32_0 : i32, i32
  }
  func.func @transform_4(%arg0: i32) -> (i32, i32) {
    %c0_i32 = arith.constant 0 : i32
    %c0_i32_0 = arith.constant 0 : i32
    %c0_i32_1 = arith.constant 0 : i32
    return %c0_i32, %c0_i32_0 : i32, i32
  }
  func.func @transform_5(%arg0: i32) -> (i32, i32) {
    %c0_i32 = arith.constant 0 : i32
    %c0_i32_0 = arith.constant 0 : i32
    %c0_i32_1 = arith.constant 0 : i32
    return %c0_i32, %c0_i32_0 : i32, i32
  }
  func.func @transform_6(%arg0: i32) -> (i32, i32) {
    %c0_i32 = arith.constant 0 : i32
    %c0_i32_0 = arith.constant 0 : i32
    %c0_i32_1 = arith.constant 0 : i32
    return %c0_i32, %c0_i32_0 : i32, i32
  }
  func.func @transform_7(%arg0: i32) -> (i32, i32) {
    %c0_i32 = arith.constant 0 : i32
    %c0_i32_0 = arith.constant 0 : i32
    return %arg0, %c0_i32 : i32, i32
  }
}

module attributes {stable_mosaic.version = 14 : i64} {
  func.func @_atn_body(%arg0: i32, %arg1: memref<1000x32xf32, #tpu.memory_space<vmem>>, %arg2: memref<1000x32xf32, #tpu.memory_space<vmem>>, %arg3: memref<32x32xf32, #tpu.memory_space<vmem>>, %arg4: memref<1x32xf32, #tpu.memory_space<vmem>>, %arg5: memref<32x32xf32, #tpu.memory_space<vmem>>, %arg6: memref<1x32xf32, #tpu.memory_space<vmem>>, %arg7: memref<32x32xf32, #tpu.memory_space<vmem>>, %arg8: memref<1x32xf32, #tpu.memory_space<vmem>>, %arg9: memref<32x32xf32, #tpu.memory_space<vmem>>, %arg10: memref<1x32xf32, #tpu.memory_space<vmem>>, %arg11: memref<64x32xf32, #tpu.memory_space<vmem>>, %arg12: memref<1x32xf32, #tpu.memory_space<vmem>>, %arg13: memref<32x1xf32, #tpu.memory_space<vmem>>, %arg14: memref<1x1xf32, #tpu.memory_space<vmem>>, %arg15: memref<32x1xf32, #tpu.memory_space<vmem>>, %arg16: memref<1x1xf32, #tpu.memory_space<vmem>>, %arg17: memref<1x1x128xf32, #tpu.memory_space<vmem>>) attributes {dimension_semantics = [#tpu.dimension_semantics<arbitrary>], iteration_bounds = array<i64: 10>, scalar_prefetch = 0 : i64, scratch_operands = 0 : i64, tpu.core_type = #tpu.core_type<tc>, window_params = [{transform_indices = @transform_0, window_bounds = array<i64: 1000, 32>}, {transform_indices = @transform_1, window_bounds = array<i64: 1000, 32>}, {pipeline_mode = #tpu.pipeline_mode<synchronous>, transform_indices = @transform_2, window_bounds = array<i64: 32, 32>}, {pipeline_mode = #tpu.pipeline_mode<synchronous>, transform_indices = @transform_3, window_bounds = array<i64: 1, 32>}, {pipeline_mode = #tpu.pipeline_mode<synchronous>, transform_indices = @transform_4, window_bounds = array<i64: 32, 32>}, {pipeline_mode = #tpu.pipeline_mode<synchronous>, transform_indices = @transform_5, window_bounds = array<i64: 1, 32>}, {pipeline_mode = #tpu.pipeline_mode<synchronous>, transform_indices = @transform_6, window_bounds = array<i64: 32, 32>}, {pipeline_mode = #tpu.pipeline_mode<synchronous>, transform_indices = @transform_7, window_bounds = array<i64: 1, 32>}, {pipeline_mode = #tpu.pipeline_mode<synchronous>, transform_indices = @transform_8, window_bounds = array<i64: 32, 32>}, {pipeline_mode = #tpu.pipeline_mode<synchronous>, transform_indices = @transform_9, window_bounds = array<i64: 1, 32>}, {pipeline_mode = #tpu.pipeline_mode<synchronous>, transform_indices = @transform_10, window_bounds = array<i64: 64, 32>}, {pipeline_mode = #tpu.pipeline_mode<synchronous>, transform_indices = @transform_11, window_bounds = array<i64: 1, 32>}, {pipeline_mode = #tpu.pipeline_mode<synchronous>, transform_indices = @transform_12, window_bounds = array<i64: 32, 1>}, {pipeline_mode = #tpu.pipeline_mode<synchronous>, transform_indices = @transform_13, window_bounds = array<i64: 1, 1>}, {pipeline_mode = #tpu.pipeline_mode<synchronous>, transform_indices = @transform_14, window_bounds = array<i64: 32, 1>}, {pipeline_mode = #tpu.pipeline_mode<synchronous>, transform_indices = @transform_15, window_bounds = array<i64: 1, 1>}, {transform_indices = @transform_16, window_bounds = array<i64: 1, 1, 128>}]} {
    %get3A = arith.constant 0 : index
    %get3A_0 = arith.constant 0 : index
    %get3A_1 = vector.load %arg1[%get3A, %get3A_0] : memref<1000x32xf32, #tpu.memory_space<vmem>>, vector<1000x32xf32>
    %get3A_2 = arith.constant 0 : index
    %get3A_3 = arith.constant 0 : index
    %get3A_4 = vector.load %arg2[%get3A_2, %get3A_3] : memref<1000x32xf32, #tpu.memory_space<vmem>>, vector<1000x32xf32>
    %get3A_5 = arith.constant 0 : index
    %get3A_6 = arith.constant 0 : index
    %get3A_7 = vector.load %arg3[%get3A_5, %get3A_6] : memref<32x32xf32, #tpu.memory_space<vmem>>, vector<32x32xf32>
    %convert_element_type3A = arith.truncf %get3A_1 : vector<1000x32xf32> to vector<1000x32xbf16>
    %convert_element_type3A_8 = arith.truncf %get3A_7 : vector<32x32xf32> to vector<32x32xbf16>
    %dot_general3A = arith.constant dense<0.000000e+00> : vector<1000x32xf32>
    %dot_general3A_9 = tpu.matmul %convert_element_type3A, %convert_element_type3A_8, %dot_general3A {dimension_numbers = #tpu.dot_dimension_numbers<[1], [0], [0], [1], [0, 0, 1, 1], [], []>, transpose_lhs_hint = false} : vector<1000x32xbf16>, vector<32x32xbf16>, vector<1000x32xf32> -> vector<1000x32xf32>
    %get3A_10 = arith.constant 0 : index
    %get3A_11 = arith.constant 0 : index
    %get3A_12 = vector.load %arg4[%get3A_10, %get3A_11] : memref<1x32xf32, #tpu.memory_space<vmem>>, vector<1x32xf32>
    %add3A = vector.broadcast %get3A_12 : vector<1x32xf32> to vector<1000x32xf32>
    %add3A_13 = arith.addf %dot_general3A_9, %add3A : vector<1000x32xf32>
    %get3A_14 = arith.constant 0 : index
    %get3A_15 = arith.constant 0 : index
    %get3A_16 = vector.load %arg5[%get3A_14, %get3A_15] : memref<32x32xf32, #tpu.memory_space<vmem>>, vector<32x32xf32>
    %convert_element_type3A_17 = arith.truncf %get3A_4 : vector<1000x32xf32> to vector<1000x32xbf16>
    %convert_element_type3A_18 = arith.truncf %get3A_16 : vector<32x32xf32> to vector<32x32xbf16>
    %dot_general3A_19 = arith.constant dense<0.000000e+00> : vector<1000x32xf32>
    %dot_general3A_20 = tpu.matmul %convert_element_type3A_17, %convert_element_type3A_18, %dot_general3A_19 {dimension_numbers = #tpu.dot_dimension_numbers<[1], [0], [0], [1], [0, 0, 1, 1], [], []>, transpose_lhs_hint = false} : vector<1000x32xbf16>, vector<32x32xbf16>, vector<1000x32xf32> -> vector<1000x32xf32>
    %get3A_21 = arith.constant 0 : index
    %get3A_22 = arith.constant 0 : index
    %get3A_23 = vector.load %arg6[%get3A_21, %get3A_22] : memref<1x32xf32, #tpu.memory_space<vmem>>, vector<1x32xf32>
    %add3A_24 = vector.broadcast %get3A_23 : vector<1x32xf32> to vector<1000x32xf32>
    %add3A_25 = arith.addf %dot_general3A_20, %add3A_24 : vector<1000x32xf32>
    %get3A_26 = arith.constant 0 : index
    %get3A_27 = arith.constant 0 : index
    %get3A_28 = vector.load %arg7[%get3A_26, %get3A_27] : memref<32x32xf32, #tpu.memory_space<vmem>>, vector<32x32xf32>
    %convert_element_type3A_29 = arith.truncf %get3A_4 : vector<1000x32xf32> to vector<1000x32xbf16>
    %convert_element_type3A_30 = arith.truncf %get3A_28 : vector<32x32xf32> to vector<32x32xbf16>
    %dot_general3A_31 = arith.constant dense<0.000000e+00> : vector<1000x32xf32>
    %dot_general3A_32 = tpu.matmul %convert_element_type3A_29, %convert_element_type3A_30, %dot_general3A_31 {dimension_numbers = #tpu.dot_dimension_numbers<[1], [0], [0], [1], [0, 0, 1, 1], [], []>, transpose_lhs_hint = false} : vector<1000x32xbf16>, vector<32x32xbf16>, vector<1000x32xf32> -> vector<1000x32xf32>
    %get3A_33 = arith.constant 0 : index
    %get3A_34 = arith.constant 0 : index
    %get3A_35 = vector.load %arg8[%get3A_33, %get3A_34] : memref<1x32xf32, #tpu.memory_space<vmem>>, vector<1x32xf32>
    %add3A_36 = vector.broadcast %get3A_35 : vector<1x32xf32> to vector<1000x32xf32>
    %add3A_37 = arith.addf %dot_general3A_32, %add3A_36 : vector<1000x32xf32>
    %convert_element_type3A_38 = arith.truncf %add3A_13 : vector<1000x32xf32> to vector<1000x32xbf16>
    %convert_element_type3A_39 = arith.truncf %add3A_25 : vector<1000x32xf32> to vector<1000x32xbf16>
    %dot_general3A_40 = arith.constant dense<0.000000e+00> : vector<1000x1000xf32>
    %dot_general3A_41 = tpu.matmul %convert_element_type3A_38, %convert_element_type3A_39, %dot_general3A_40 {dimension_numbers = #tpu.dot_dimension_numbers<[1], [1], [0], [0], [0, 0, 1, 0], [], []>, transpose_lhs_hint = false} : vector<1000x32xbf16>, vector<1000x32xbf16>, vector<1000x1000xf32> -> vector<1000x1000xf32>
    %mul3A = arith.constant 0.176776692 : f32
    %mul3A_42 = vector.broadcast %mul3A : f32 to vector<1000x1000xf32>
    %mul3A_43 = arith.mulf %dot_general3A_41, %mul3A_42 : vector<1000x1000xf32>
    %reduce_max3A = arith.constant dense<0xFF800000> : vector<1000xf32>
    %reduce_max3A_44 = vector.multi_reduction <maximumf>, %mul3A_43, %reduce_max3A [1] : vector<1000x1000xf32> to vector<1000xf32>
    %broadcast_in_dim3A = vector.shape_cast %reduce_max3A_44 : vector<1000xf32> to vector<1000x1xf32>
    %sub3A = vector.broadcast %broadcast_in_dim3A : vector<1000x1xf32> to vector<1000x1000xf32>
    %sub3A_45 = arith.subf %mul3A_43, %sub3A : vector<1000x1000xf32>
    %exp3A = math.exp %sub3A_45 : vector<1000x1000xf32>
    %reduce_sum3A = arith.constant dense<0.000000e+00> : vector<1000xf32>
    %reduce_sum3A_46 = vector.multi_reduction <add>, %exp3A, %reduce_sum3A [1] : vector<1000x1000xf32> to vector<1000xf32>
    %broadcast_in_dim3A_47 = vector.shape_cast %reduce_sum3A_46 : vector<1000xf32> to vector<1000x1xf32>
    %div3A = vector.broadcast %broadcast_in_dim3A_47 : vector<1000x1xf32> to vector<1000x1000xf32>
    %div3A_48 = arith.divf %exp3A, %div3A : vector<1000x1000xf32>
    %convert_element_type3A_49 = arith.truncf %div3A_48 : vector<1000x1000xf32> to vector<1000x1000xbf16>
    %convert_element_type3A_50 = arith.truncf %add3A_37 : vector<1000x32xf32> to vector<1000x32xbf16>
    %dot_general3A_51 = arith.constant dense<0.000000e+00> : vector<1000x32xf32>
    %dot_general3A_52 = tpu.matmul %convert_element_type3A_49, %convert_element_type3A_50, %dot_general3A_51 {dimension_numbers = #tpu.dot_dimension_numbers<[1], [0], [0], [1], [0, 0, 1, 1], [], []>, transpose_lhs_hint = false} : vector<1000x1000xbf16>, vector<1000x32xbf16>, vector<1000x32xf32> -> vector<1000x32xf32>
    %get3A_53 = arith.constant 0 : index
    %get3A_54 = arith.constant 0 : index
    %get3A_55 = vector.load %arg9[%get3A_53, %get3A_54] : memref<32x32xf32, #tpu.memory_space<vmem>>, vector<32x32xf32>
    %convert_element_type3A_56 = arith.truncf %dot_general3A_52 : vector<1000x32xf32> to vector<1000x32xbf16>
    %convert_element_type3A_57 = arith.truncf %get3A_55 : vector<32x32xf32> to vector<32x32xbf16>
    %dot_general3A_58 = arith.constant dense<0.000000e+00> : vector<1000x32xf32>
    %dot_general3A_59 = tpu.matmul %convert_element_type3A_56, %convert_element_type3A_57, %dot_general3A_58 {dimension_numbers = #tpu.dot_dimension_numbers<[1], [0], [0], [1], [0, 0, 1, 1], [], []>, transpose_lhs_hint = false} : vector<1000x32xbf16>, vector<32x32xbf16>, vector<1000x32xf32> -> vector<1000x32xf32>
    %get3A_60 = arith.constant 0 : index
    %get3A_61 = arith.constant 0 : index
    %get3A_62 = vector.load %arg10[%get3A_60, %get3A_61] : memref<1x32xf32, #tpu.memory_space<vmem>>, vector<1x32xf32>
    %add3A_63 = vector.broadcast %get3A_62 : vector<1x32xf32> to vector<1000x32xf32>
    %add3A_64 = arith.addf %dot_general3A_59, %add3A_63 : vector<1000x32xf32>
    %concatenate3A = tpu.concatenate %get3A_1, %add3A_64 in 1 : vector<1000x32xf32>, vector<1000x32xf32> -> vector<1000x64xf32>
    %get3A_65 = arith.constant 0 : index
    %get3A_66 = arith.constant 0 : index
    %get3A_67 = vector.load %arg11[%get3A_65, %get3A_66] : memref<64x32xf32, #tpu.memory_space<vmem>>, vector<64x32xf32>
    %convert_element_type3A_68 = arith.truncf %concatenate3A : vector<1000x64xf32> to vector<1000x64xbf16>
    %convert_element_type3A_69 = arith.truncf %get3A_67 : vector<64x32xf32> to vector<64x32xbf16>
    %dot_general3A_70 = arith.constant dense<0.000000e+00> : vector<1000x32xf32>
    %dot_general3A_71 = tpu.matmul %convert_element_type3A_68, %convert_element_type3A_69, %dot_general3A_70 {dimension_numbers = #tpu.dot_dimension_numbers<[1], [0], [0], [1], [0, 0, 1, 1], [], []>, transpose_lhs_hint = false} : vector<1000x64xbf16>, vector<64x32xbf16>, vector<1000x32xf32> -> vector<1000x32xf32>
    %get3A_72 = arith.constant 0 : index
    %get3A_73 = arith.constant 0 : index
    %get3A_74 = vector.load %arg12[%get3A_72, %get3A_73] : memref<1x32xf32, #tpu.memory_space<vmem>>, vector<1x32xf32>
    %add3A_75 = vector.broadcast %get3A_74 : vector<1x32xf32> to vector<1000x32xf32>
    %add3A_76 = arith.addf %dot_general3A_71, %add3A_75 : vector<1000x32xf32>
    %get3A_77 = arith.constant 0 : index
    %get3A_78 = arith.constant 0 : index
    %get3A_79 = vector.load %arg13[%get3A_77, %get3A_78] : memref<32x1xf32, #tpu.memory_space<vmem>>, vector<32x1xf32>
    %convert_element_type3A_80 = arith.truncf %get3A_4 : vector<1000x32xf32> to vector<1000x32xbf16>
    %convert_element_type3A_81 = arith.truncf %get3A_79 : vector<32x1xf32> to vector<32x1xbf16>
    %dot_general3A_82 = arith.constant dense<0.000000e+00> : vector<1000x1xf32>
    %dot_general3A_83 = tpu.matmul %convert_element_type3A_80, %convert_element_type3A_81, %dot_general3A_82 {dimension_numbers = #tpu.dot_dimension_numbers<[1], [0], [0], [1], [0, 0, 1, 1], [], []>, transpose_lhs_hint = false} : vector<1000x32xbf16>, vector<32x1xbf16>, vector<1000x1xf32> -> vector<1000x1xf32>
    %get3A_84 = arith.constant 0 : index
    %get3A_85 = arith.constant 0 : index
    %get3A_86 = vector.load %arg14[%get3A_84, %get3A_85] : memref<1x1xf32, #tpu.memory_space<vmem>>, vector<1x1xf32>
    %add3A_87 = vector.broadcast %get3A_86 : vector<1x1xf32> to vector<1000x1xf32>
    %add3A_88 = arith.addf %dot_general3A_83, %add3A_87 : vector<1000x1xf32>
    %logistic3A = arith.negf %add3A_88 : vector<1000x1xf32>
    %logistic3A_89 = math.exp %logistic3A : vector<1000x1xf32>
    %logistic3A_90 = arith.constant 1.000000e+00 : f32
    %logistic3A_91 = vector.broadcast %logistic3A_90 : f32 to vector<1000x1xf32>
    %logistic3A_92 = arith.addf %logistic3A_91, %logistic3A_89 : vector<1000x1xf32>
    %logistic3A_93 = arith.divf %logistic3A_91, %logistic3A_92 : vector<1000x1xf32>
    %mul3A_94 = vector.broadcast %logistic3A_93 : vector<1000x1xf32> to vector<1000x32xf32>
    %mul3A_95 = arith.mulf %mul3A_94, %get3A_4 : vector<1000x32xf32>
    %reduce_sum3A_96 = arith.constant dense<0.000000e+00> : vector<32xf32>
    %reduce_sum3A_97 = vector.multi_reduction <add>, %mul3A_95, %reduce_sum3A_96 [0] : vector<1000x32xf32> to vector<32xf32>
    %broadcast_in_dim3A_98 = vector.shape_cast %reduce_sum3A_97 : vector<32xf32> to vector<1x32xf32>
    %reduce_max3A_99 = arith.constant dense<0xFF800000> : vector<32xf32>
    %reduce_max3A_100 = vector.multi_reduction <maximumf>, %get3A_4, %reduce_max3A_99 [0] : vector<1000x32xf32> to vector<32xf32>
    %broadcast_in_dim3A_101 = vector.shape_cast %reduce_max3A_100 : vector<32xf32> to vector<1x32xf32>
    %get3A_102 = arith.constant 0 : index
    %get3A_103 = arith.constant 0 : index
    %get3A_104 = vector.load %arg15[%get3A_102, %get3A_103] : memref<32x1xf32, #tpu.memory_space<vmem>>, vector<32x1xf32>
    %convert_element_type3A_105 = arith.truncf %add3A_76 : vector<1000x32xf32> to vector<1000x32xbf16>
    %convert_element_type3A_106 = arith.truncf %get3A_104 : vector<32x1xf32> to vector<32x1xbf16>
    %dot_general3A_107 = arith.constant dense<0.000000e+00> : vector<1000x1xf32>
    %dot_general3A_108 = tpu.matmul %convert_element_type3A_105, %convert_element_type3A_106, %dot_general3A_107 {dimension_numbers = #tpu.dot_dimension_numbers<[1], [0], [0], [1], [0, 0, 1, 1], [], []>, transpose_lhs_hint = false} : vector<1000x32xbf16>, vector<32x1xbf16>, vector<1000x1xf32> -> vector<1000x1xf32>
    %get3A_109 = arith.constant 0 : index
    %get3A_110 = arith.constant 0 : index
    %get3A_111 = vector.load %arg16[%get3A_109, %get3A_110] : memref<1x1xf32, #tpu.memory_space<vmem>>, vector<1x1xf32>
    %add3A_112 = vector.broadcast %get3A_111 : vector<1x1xf32> to vector<1000x1xf32>
    %add3A_113 = arith.addf %dot_general3A_108, %add3A_112 : vector<1000x1xf32>
    %logistic3A_114 = arith.negf %add3A_113 : vector<1000x1xf32>
    %logistic3A_115 = math.exp %logistic3A_114 : vector<1000x1xf32>
    %logistic3A_116 = arith.constant 1.000000e+00 : f32
    %logistic3A_117 = vector.broadcast %logistic3A_116 : f32 to vector<1000x1xf32>
    %logistic3A_118 = arith.addf %logistic3A_117, %logistic3A_115 : vector<1000x1xf32>
    %logistic3A_119 = arith.divf %logistic3A_117, %logistic3A_118 : vector<1000x1xf32>
    %mul3A_120 = vector.broadcast %logistic3A_119 : vector<1000x1xf32> to vector<1000x32xf32>
    %mul3A_121 = arith.mulf %mul3A_120, %add3A_76 : vector<1000x32xf32>
    %reduce_sum3A_122 = arith.constant dense<0.000000e+00> : vector<32xf32>
    %reduce_sum3A_123 = vector.multi_reduction <add>, %mul3A_121, %reduce_sum3A_122 [0] : vector<1000x32xf32> to vector<32xf32>
    %broadcast_in_dim3A_124 = vector.shape_cast %reduce_sum3A_123 : vector<32xf32> to vector<1x32xf32>
    %reduce_max3A_125 = arith.constant dense<0xFF800000> : vector<32xf32>
    %reduce_max3A_126 = vector.multi_reduction <maximumf>, %add3A_76, %reduce_max3A_125 [0] : vector<1000x32xf32> to vector<32xf32>
    %broadcast_in_dim3A_127 = vector.shape_cast %reduce_max3A_126 : vector<32xf32> to vector<1x32xf32>
    %concatenate3A_128 = tpu.concatenate %broadcast_in_dim3A_98, %broadcast_in_dim3A_101, %broadcast_in_dim3A_124, %broadcast_in_dim3A_127 in 1 : vector<1x32xf32>, vector<1x32xf32>, vector<1x32xf32>, vector<1x32xf32> -> vector<1x128xf32>
    %swap3A = arith.constant 0 : index
    %swap3A_129 = arith.constant 0 : index
    %swap3A_130 = arith.constant 0 : index
    %swap3A_131 = vector.load %arg17[%swap3A, %swap3A_129, %swap3A_130] : memref<1x1x128xf32, #tpu.memory_space<vmem>>, vector<1x1x128xf32>
    %swap3A_132 = vector.shape_cast %swap3A_131 : vector<1x1x128xf32> to vector<1x128xf32>
    %swap3A_133 = vector.shape_cast %concatenate3A_128 : vector<1x128xf32> to vector<1x1x128xf32>
    tpu.vector_store %arg17[%swap3A, %swap3A_129, %swap3A_130], %swap3A_133 {strides = array<i32>} : memref<1x1x128xf32, #tpu.memory_space<vmem>>, vector<1x1x128xf32>,
    return
  }
  func.func @transform_0(%arg0: i32) -> (i32, i32) {
    %c0_i32 = arith.constant 0 : i32
    %c0_i32_0 = arith.constant 0 : i32
    return %arg0, %c0_i32 : i32, i32
  }
  func.func @transform_1(%arg0: i32) -> (i32, i32) {
    %c0_i32 = arith.constant 0 : i32
    %c0_i32_0 = arith.constant 0 : i32
    return %arg0, %c0_i32 : i32, i32
  }
  func.func @transform_2(%arg0: i32) -> (i32, i32) {
    %c0_i32 = arith.constant 0 : i32
    %c0_i32_0 = arith.constant 0 : i32
    %c0_i32_1 = arith.constant 0 : i32
    return %c0_i32, %c0_i32_0 : i32, i32
  }
  func.func @transform_3(%arg0: i32) -> (i32, i32) {
    %c0_i32 = arith.constant 0 : i32
    %c0_i32_0 = arith.constant 0 : i32
    %c0_i32_1 = arith.constant 0 : i32
    return %c0_i32, %c0_i32_0 : i32, i32
  }
  func.func @transform_4(%arg0: i32) -> (i32, i32) {
    %c0_i32 = arith.constant 0 : i32
    %c0_i32_0 = arith.constant 0 : i32
    %c0_i32_1 = arith.constant 0 : i32
    return %c0_i32, %c0_i32_0 : i32, i32
  }
  func.func @transform_5(%arg0: i32) -> (i32, i32) {
    %c0_i32 = arith.constant 0 : i32
    %c0_i32_0 = arith.constant 0 : i32
    %c0_i32_1 = arith.constant 0 : i32
    return %c0_i32, %c0_i32_0 : i32, i32
  }
  func.func @transform_6(%arg0: i32) -> (i32, i32) {
    %c0_i32 = arith.constant 0 : i32
    %c0_i32_0 = arith.constant 0 : i32
    %c0_i32_1 = arith.constant 0 : i32
    return %c0_i32, %c0_i32_0 : i32, i32
  }
  func.func @transform_7(%arg0: i32) -> (i32, i32) {
    %c0_i32 = arith.constant 0 : i32
    %c0_i32_0 = arith.constant 0 : i32
    %c0_i32_1 = arith.constant 0 : i32
    return %c0_i32, %c0_i32_0 : i32, i32
  }
  func.func @transform_8(%arg0: i32) -> (i32, i32) {
    %c0_i32 = arith.constant 0 : i32
    %c0_i32_0 = arith.constant 0 : i32
    %c0_i32_1 = arith.constant 0 : i32
    return %c0_i32, %c0_i32_0 : i32, i32
  }
  func.func @transform_9(%arg0: i32) -> (i32, i32) {
    %c0_i32 = arith.constant 0 : i32
    %c0_i32_0 = arith.constant 0 : i32
    %c0_i32_1 = arith.constant 0 : i32
    return %c0_i32, %c0_i32_0 : i32, i32
  }
  func.func @transform_10(%arg0: i32) -> (i32, i32) {
    %c0_i32 = arith.constant 0 : i32
    %c0_i32_0 = arith.constant 0 : i32
    %c0_i32_1 = arith.constant 0 : i32
    return %c0_i32, %c0_i32_0 : i32, i32
  }
  func.func @transform_11(%arg0: i32) -> (i32, i32) {
    %c0_i32 = arith.constant 0 : i32
    %c0_i32_0 = arith.constant 0 : i32
    %c0_i32_1 = arith.constant 0 : i32
    return %c0_i32, %c0_i32_0 : i32, i32
  }
  func.func @transform_12(%arg0: i32) -> (i32, i32) {
    %c0_i32 = arith.constant 0 : i32
    %c0_i32_0 = arith.constant 0 : i32
    %c0_i32_1 = arith.constant 0 : i32
    return %c0_i32, %c0_i32_0 : i32, i32
  }
  func.func @transform_13(%arg0: i32) -> (i32, i32) {
    %c0_i32 = arith.constant 0 : i32
    %c0_i32_0 = arith.constant 0 : i32
    %c0_i32_1 = arith.constant 0 : i32
    return %c0_i32, %c0_i32_0 : i32, i32
  }
  func.func @transform_14(%arg0: i32) -> (i32, i32) {
    %c0_i32 = arith.constant 0 : i32
    %c0_i32_0 = arith.constant 0 : i32
    %c0_i32_1 = arith.constant 0 : i32
    return %c0_i32, %c0_i32_0 : i32, i32
  }
  func.func @transform_15(%arg0: i32) -> (i32, i32) {
    %c0_i32 = arith.constant 0 : i32
    %c0_i32_0 = arith.constant 0 : i32
    %c0_i32_1 = arith.constant 0 : i32
    return %c0_i32, %c0_i32_0 : i32, i32
  }
  func.func @transform_16(%arg0: i32) -> (i32, i32, i32) {
    %c0_i32 = arith.constant 0 : i32
    %c0_i32_0 = arith.constant 0 : i32
    %c0_i32_1 = arith.constant 0 : i32
    return %arg0, %c0_i32, %c0_i32_0 : i32, i32, i32
  }
}

module attributes {stable_mosaic.version = 14 : i64} {
  func.func @_mlp_body(%arg0: memref<10x128xf32, #tpu.memory_space<vmem>>, %arg1: memref<128x256xf32, #tpu.memory_space<vmem>>, %arg2: memref<1x256xf32, #tpu.memory_space<vmem>>, %arg3: memref<256x128xf32, #tpu.memory_space<vmem>>, %arg4: memref<1x128xf32, #tpu.memory_space<vmem>>, %arg5: memref<128x1xf32, #tpu.memory_space<vmem>>, %arg6: memref<1x1xf32, #tpu.memory_space<vmem>>, %arg7: memref<10x1xf32, #tpu.memory_space<vmem>>) attributes {dimension_semantics = [], scalar_prefetch = 0 : i64, scratch_operands = 0 : i64, tpu.core_type = #tpu.core_type<tc>} {
    %get3A = arith.constant 0 : index
    %get3A_0 = arith.constant 0 : index
    %get3A_1 = vector.load %arg0[%get3A, %get3A_0] : memref<10x128xf32, #tpu.memory_space<vmem>>, vector<10x128xf32>
    %get3A_2 = arith.constant 0 : index
    %get3A_3 = arith.constant 0 : index
    %get3A_4 = vector.load %arg1[%get3A_2, %get3A_3] : memref<128x256xf32, #tpu.memory_space<vmem>>, vector<128x256xf32>
    %convert_element_type3A = arith.truncf %get3A_1 : vector<10x128xf32> to vector<10x128xbf16>
    %convert_element_type3A_5 = arith.truncf %get3A_4 : vector<128x256xf32> to vector<128x256xbf16>
    %dot_general3A = arith.constant dense<0.000000e+00> : vector<10x256xf32>
    %dot_general3A_6 = tpu.matmul %convert_element_type3A, %convert_element_type3A_5, %dot_general3A {dimension_numbers = #tpu.dot_dimension_numbers<[1], [0], [0], [1], [0, 0, 1, 1], [], []>, transpose_lhs_hint = false} : vector<10x128xbf16>, vector<128x256xbf16>, vector<10x256xf32> -> vector<10x256xf32>
    %get3A_7 = arith.constant 0 : index
    %get3A_8 = arith.constant 0 : index
    %get3A_9 = vector.load %arg2[%get3A_7, %get3A_8] : memref<1x256xf32, #tpu.memory_space<vmem>>, vector<1x256xf32>
    %add3A = vector.broadcast %get3A_9 : vector<1x256xf32> to vector<10x256xf32>
    %add3A_10 = arith.addf %dot_general3A_6, %add3A : vector<10x256xf32>
    %gt3A = arith.constant 0.000000e+00 : f32
    %gt3A_11 = vector.broadcast %gt3A : f32 to vector<10x256xf32>
    %gt3A_12 = arith.cmpf ogt, %add3A_10, %gt3A_11 : vector<10x256xf32>
    %mul3A = arith.constant 0.00999999977 : f32
    %mul3A_13 = vector.broadcast %mul3A : f32 to vector<10x256xf32>
    %mul3A_14 = arith.mulf %mul3A_13, %add3A_10 : vector<10x256xf32>
    %select_n3A = arith.select %gt3A_12, %add3A_10, %mul3A_14 : vector<10x256xi1>, vector<10x256xf32>
    %get3A_15 = arith.constant 0 : index
    %get3A_16 = arith.constant 0 : index
    %get3A_17 = vector.load %arg3[%get3A_15, %get3A_16] : memref<256x128xf32, #tpu.memory_space<vmem>>, vector<256x128xf32>
    %convert_element_type3A_18 = arith.truncf %select_n3A : vector<10x256xf32> to vector<10x256xbf16>
    %convert_element_type3A_19 = arith.truncf %get3A_17 : vector<256x128xf32> to vector<256x128xbf16>
    %dot_general3A_20 = arith.constant dense<0.000000e+00> : vector<10x128xf32>
    %dot_general3A_21 = tpu.matmul %convert_element_type3A_18, %convert_element_type3A_19, %dot_general3A_20 {dimension_numbers = #tpu.dot_dimension_numbers<[1], [0], [0], [1], [0, 0, 1, 1], [], []>, transpose_lhs_hint = false} : vector<10x256xbf16>, vector<256x128xbf16>, vector<10x128xf32> -> vector<10x128xf32>
    %get3A_22 = arith.constant 0 : index
    %get3A_23 = arith.constant 0 : index
    %get3A_24 = vector.load %arg4[%get3A_22, %get3A_23] : memref<1x128xf32, #tpu.memory_space<vmem>>, vector<1x128xf32>
    %add3A_25 = vector.broadcast %get3A_24 : vector<1x128xf32> to vector<10x128xf32>
    %add3A_26 = arith.addf %dot_general3A_21, %add3A_25 : vector<10x128xf32>
    %gt3A_27 = arith.constant 0.000000e+00 : f32
    %gt3A_28 = vector.broadcast %gt3A_27 : f32 to vector<10x128xf32>
    %gt3A_29 = arith.cmpf ogt, %add3A_26, %gt3A_28 : vector<10x128xf32>
    %mul3A_30 = arith.constant 0.00999999977 : f32
    %mul3A_31 = vector.broadcast %mul3A_30 : f32 to vector<10x128xf32>
    %mul3A_32 = arith.mulf %mul3A_31, %add3A_26 : vector<10x128xf32>
    %select_n3A_33 = arith.select %gt3A_29, %add3A_26, %mul3A_32 : vector<10x128xi1>, vector<10x128xf32>
    %get3A_34 = arith.constant 0 : index
    %get3A_35 = arith.constant 0 : index
    %get3A_36 = vector.load %arg5[%get3A_34, %get3A_35] : memref<128x1xf32, #tpu.memory_space<vmem>>, vector<128x1xf32>
    %convert_element_type3A_37 = arith.truncf %select_n3A_33 : vector<10x128xf32> to vector<10x128xbf16>
    %convert_element_type3A_38 = arith.truncf %get3A_36 : vector<128x1xf32> to vector<128x1xbf16>
    %dot_general3A_39 = arith.constant dense<0.000000e+00> : vector<10x1xf32>
    %dot_general3A_40 = tpu.matmul %convert_element_type3A_37, %convert_element_type3A_38, %dot_general3A_39 {dimension_numbers = #tpu.dot_dimension_numbers<[1], [0], [0], [1], [0, 0, 1, 1], [], []>, transpose_lhs_hint = false} : vector<10x128xbf16>, vector<128x1xbf16>, vector<10x1xf32> -> vector<10x1xf32>
    %get3A_41 = arith.constant 0 : index
    %get3A_42 = arith.constant 0 : index
    %get3A_43 = vector.load %arg6[%get3A_41, %get3A_42] : memref<1x1xf32, #tpu.memory_space<vmem>>, vector<1x1xf32>
    %add3A_44 = vector.broadcast %get3A_43 : vector<1x1xf32> to vector<10x1xf32>
    %add3A_45 = arith.addf %dot_general3A_40, %add3A_44 : vector<10x1xf32>
    %swap3A = arith.constant 0 : index
    %swap3A_46 = arith.constant 0 : index
    %swap3A_47 = vector.load %arg7[%swap3A, %swap3A_46] : memref<10x1xf32, #tpu.memory_space<vmem>>, vector<10x1xf32>
    tpu.vector_store %arg7[%swap3A, %swap3A_46], %add3A_45 {strides = array<i32>} : memref<10x1xf32, #tpu.memory_space<vmem>>, vector<10x1xf32>,
    return
  }
}

</mosaic_0001>

<sc_bundles>
// kernel: kernel.13.cloned.1.call-start
scs
__scs_entry_jumppad:
0x0: {  	(pc) =	sbr.rel $0x88, $3  }
0x1: {  	(tag) =	ssettag $0x0;
	lr =	simm.s32 $0x1  }
0x2: {  	[smem:$0x3F70] =	sst lr;
	_ =	strace $0xD0000000  }
0x3: {  	_ = 	snop  }
0x4: {  	_ = 	snop  }
0x5: {  	_ = 	snop  }
0x6: {  	_ = 	snop  }
0x7: {  	_ = 	snop  }
__scs_overlays_trampoline_lowered:
0x8: {  	[smem:$0x3F7F] =	sst s0  }
0x9: {  	[smem:$0x3F80] =	sst s1  }
0xa: {  	[smem:$0x3F81] =	sst s2  }
0xb: {  	[smem:$0x3F82] =	sst s3  }
0xc: {  	[smem:$0x3F83] =	sst s4  }
0xd: {  	[smem:$0x3F84] =	sst s5  }
0xe: {  	[smem:$0x3F85] =	sst s6  }
0xf: {  	[smem:$0x3F86] =	sst s7  }
0x10: {  	[smem:$0x3F87] =	sst s8  }
0x11: {  	[smem:$0x3F88] =	sst s9;
	s0 =	simm.s32 @!p0 $0x0  }
0x12: {  	s1 =	sld [smem:$0x3F6E];
	s0 =	simm.s32 @p0 $0x1  }
0x13: {  	[smem:$0x3F89] =	sst s0;
	s0 =	simm.s32 @!p1 $0x0  }
0x14: {  	s2 =	sld [smem:$0x3F6D];
	s0 =	simm.s32 @p1 $0x1  }
0x15: {  	[smem:$0x3F8A] =	sst s0;
	s0 =	simm.s32 @!p2 $0x0  }
0x16: {  	s3 =	sld [smem:$0x3FDB];
	s0 =	simm.s32 @p2 $0x1  }
0x17: {  	s4 =	simm.s32 $0x1BF5;
	[smem:$0x3F8C] =	sst s0  }
0x18: {  	s0 =	sld [smem:$0x3F6F];
	_ =	swait.ge [sflag:s4], $0x0  }
0x19: {  	s7 =	sld [smem:$0x3F70]  }
0x1a: {  	s8 =	sadd.s32 $0xFFFFE003, lr  }
0x1b: {  	s9 =	sadd.s32 $0xFFFFFEF7, lr;
	s5 =	simm.s32 $0xFFFFFFFF;
	p2 =	slt.u32 s8, $0xFFFFF086  }
0x1c: {  	p1 =	slt.u32 s9, $0xF7A;
	s5 =	simm.s32 @!p2 $0x0  }
0x1d: {  	s5 =	simm.s32 @p1 $0x1;
	p0 =	seq.s32 s7, s2  }
0x1e: {  	s7 =	smul.u32 @!p0 $0xF7A, s2;
	p2 =	seq.s32 @!p0 s5, $0x0  }
0x1f: {  	s9 =	smul.u32 $0xF7A, s1;
	s8 =	simm.s32 @!p0 $0x1BF5;
	p2 =	por !p2, p0  }
0x20: {  	[sflag:s8] =	ssyncset.s32 @!p0 $0xFFFFF086;
	s6 =	sadd.s32 @!p0 s3, s7;
	s7 =	simm.s32 @!p0 $0x108  }
0x21: {  	s3 =	sadd.s32 s3, s9;
	s6 =	sadd.s32 @!p0 $0x88, s6;
	s7 =	simm.s32 @p2 $0x1082  }
0x22: {  	[simem:s7], [sflag:s8] =	dma.local @!p0 [hbm:s6], $0xF7A  }
0x23: {  	s9 =	sor.u32 $0xD0000000, s2;
	s6 =	simm.s32 $0x108;
	_ =	swait.ge @!p0 [sflag:s8], $0x0  }
0x24: {  	s3 =	sadd.s32 $0x88, s3;
	s6 =	simm.s32 @!p1 $0x1082;
	[sflag:s4] =	ssyncset.s32 $0xFFFFF086  }
0x25: {  	[simem:s6], [sflag:s4] =	dma.local [hbm:s3], $0xF7A  }
0x26: {  	[smem:$0x3F70] =	sst s1;
	(tag) =	ssettag s2;
	_ =	strace s9  }
0x27: {  	s1 =	sld [smem:$0x3F80]  }
0x28: {  	s2 =	sld [smem:$0x3F81]  }
0x29: {  	s4 =	sld [smem:$0x3F83]  }
0x2a: {  	p0 =	seq.s32 s5, $0x0;
	s5 =	sld [smem:$0x3F84]  }
0x2b: {  	s6 =	sld [smem:$0x3F85]  }
0x2c: {  	s7 =	sld [smem:$0x3F86]  }
0x2d: {  	s3 =	simm.s32 $0x108;
	s8 =	sld [smem:$0x3F87]  }
0x2e: {  	s3 =	simm.s32 @!p0 $0x1082;
	s9 =	sld [smem:$0x3F88]  }
0x2f: {  	lr =	sadd.s32 s0, s3;
	s0 =	sld [smem:$0x3F7F]  }
0x30: {  	s3 =	sld [smem:$0x3F82]  }
0x31: {  	[smem:$0x3F8B] =	sst s10  }
0x32: {  	s10 =	sld [smem:$0x3F89];
	_ =	sdelay $0x3  }
0x33: {  	p0 =	seq.s32 s10, $0x1;
	s10 =	sld [smem:$0x3F8B];
	_ =	sdelay $0x3  }
0x34: {  	[smem:$0x3F8B] =	sst s10  }
0x35: {  	s10 =	sld [smem:$0x3F8A];
	_ =	sdelay $0x3  }
0x36: {  	p1 =	seq.s32 s10, $0x1;
	s10 =	sld [smem:$0x3F8B];
	_ =	sdelay $0x3  }
0x37: {  	[smem:$0x3F8B] =	sst s10  }
0x38: {  	s10 =	sld [smem:$0x3F8C]  }
0x39: {  	_ = 	snop;
	(pc) =	sbr.ind lr, $3  }
0x3a: {  	_ = 	snop  }
0x3b: {  	_ = 	snop  }
0x3c: {  	p2 =	seq.s32 s10, $0x1;
	s10 =	sld [smem:$0x3F8B]  }
0x3d: {  	_ =	shalt  }
0x3e: {  	_ =	shalt  }
0x3f: {  	_ =	shalt  }
0x40: {  	_ =	shalt  }
0x41: {  	_ =	shalt  }
0x42: {  	_ =	shalt  }
0x43: {  	_ =	shalt  }
0x44: {  	_ =	shalt  }
0x45: {  	_ =	shalt  }
0x46: {  	_ =	shalt  }
0x47: {  	_ =	shalt  }
0x48: {  	_ =	shalt  }
0x49: {  	_ =	shalt  }
0x4a: {  	_ =	shalt  }
0x4b: {  	_ =	shalt  }
0x4c: {  	_ =	shalt  }
0x4d: {  	_ =	shalt  }
0x4e: {  	_ =	shalt  }
0x4f: {  	_ =	shalt  }
0x50: {  	_ =	shalt  }
0x51: {  	_ =	shalt  }
0x52: {  	_ =	shalt  }
0x53: {  	_ =	shalt  }
0x54: {  	_ =	shalt  }
0x55: {  	_ =	shalt  }
0x56: {  	_ =	shalt  }
0x57: {  	_ =	shalt  }
0x58: {  	_ =	shalt  }
0x59: {  	_ =	shalt  }
0x5a: {  	_ =	shalt  }
0x5b: {  	_ =	shalt  }
0x5c: {  	_ =	shalt  }
0x5d: {  	_ =	shalt  }
0x5e: {  	_ =	shalt  }
0x5f: {  	_ =	shalt  }
0x60: {  	_ =	shalt  }
0x61: {  	_ =	shalt  }
0x62: {  	_ =	shalt  }
0x63: {  	_ =	shalt  }
0x64: {  	_ =	shalt  }
0x65: {  	_ =	shalt  }
0x66: {  	_ =	shalt  }
0x67: {  	_ =	shalt  }
0x68: {  	_ =	shalt  }
0x69: {  	_ =	shalt  }
0x6a: {  	_ =	shalt  }
0x6b: {  	_ =	shalt  }
0x6c: {  	_ =	shalt  }
0x6d: {  	_ =	shalt  }
0x6e: {  	_ =	shalt  }
0x6f: {  	_ =	shalt  }
0x70: {  	_ =	shalt  }
0x71: {  	_ =	shalt  }
0x72: {  	_ =	shalt  }
0x73: {  	_ =	shalt  }
0x74: {  	_ =	shalt  }
0x75: {  	_ =	shalt  }
0x76: {  	_ =	shalt  }
0x77: {  	_ =	shalt  }
0x78: {  	_ =	shalt  }
0x79: {  	_ =	shalt  }
0x7a: {  	_ =	shalt  }
0x7b: {  	_ =	shalt  }
0x7c: {  	_ =	shalt  }
0x7d: {  	_ =	shalt  }
0x7e: {  	_ =	shalt  }
0x7f: {  	_ =	shalt  }
0x80: {  	_ =	shalt  }
0x81: {  	_ =	shalt  }
0x82: {  	_ =	shalt  }
0x83: {  	_ =	shalt  }
0x84: {  	_ =	shalt  }
0x85: {  	_ =	shalt  }
0x86: {  	_ =	shalt  }
0x87: {  	_ =	shalt  }
.Lfunc_end0:
.L_simem_size_0:
called_computation_lowered:
.L_overlay_start_0:
0x88: {  	s2 =	sld [smem:$0x3FD9]  }
0x89: {  	s3 =	sld [smem:$0x3FFE];
	_ =	sdelay $0x1  }
0x8a: {  	s1 =	srdreg.scid  }
0x8b: {  	s0 =	sand.u32 $0x1, s1  }
0x8c: {  	s17 =	sshll.u32 s0, $0xA;
	s2 =	sadd.s32 s3, s2  }
0x8d: {  	s2 =	sadd.s32 s2, s17  }
0x8e: {  	[smem:$0x3F97] =	sst s2  }
0x8f: {  	_ = 	snop  }
0x90: {  	(tm) =	ssettm $0x1  }
0x91: {  	s18 =	sld [smem:$0x3FFB];
	_ =	sdelay $0x3  }
0x92: {  	_ =	strace s18  }
0x93: {  	s2 =	sld [smem:$0x3FFC];
	_ =	sdelay $0x3  }
0x94: {  	_ =	strace s2  }
0x95: {  	s2 =	sld [smem:$0x3FFD];
	_ =	sdelay $0x3  }
0x96: {  	_ =	strace s2  }
0x97: {  	_ =	strace $0x8FFFFFFF  }
0x98: {  	s19 =	sld [smem:$0x3FDB];
	_ =	sdelay $0x1  }
0x99: {  	s20 =	simm.s32 $_scs_section_size  }
0x9a: {  	s4 =	simm.s32 $_size__tile_overlayer_lowered;
	s5 =	simm.s32 $_tile_overlayer_lowered  }
0x9b: {  	s6 =	simm.s32 $0x1BFF;
	s21 =	sshll.u32 s5, $0x1;
	s3 =	sadd.s32 s20, s19  }
0x9c: {  	s22 =	simm.s32 $0x0;
	s4 =	sshll.u32 s4, $0x1;
	s5 =	sadd.s32 s21, s3  }
0x9d: {  	[timem:s22], [sflag:s6] =	dma.local [hbm:s5], s4  }
0x9e: {  	_ =	swait.ge [sflag:s6], s4  }
0x9f: {  	s4 =	ssub.s32 $0x0, s4;
	[sflag:s6] =	ssyncset.done $0x0  }
0xa0: {  	[sflag:s6] =	ssyncadd.s32 s4;
	_ =	sdelay $0x1  }
0xa1: {  	s23 =	simm.s32 $0x1B8B  }
0xa2: {  	_ =	swait.ge [sflag:s23], $0x1  }
0xa3: {  	[sflag:s23] =	ssyncset.done $0x0  }
0xa4: {  	[sflag:s23] =	ssyncadd.s32 $0xFFFFFFFF  }
0xa5: {  	s4 =	sld [smem:$0x0]  }
0xa6: {  	s5 =	sand.u32 $0xFFFFFFFE, s1  }
0xa7: {  	p0 =	sne.s32 s1, s5  }
0xa8: {  	s5 =	sshll.u32 @p0 s5, $0xE  }
0xa9: {  	s5 =	sadd.s32 @p0 $0x11B8D, s5;
	s6 =	sshll.u32 @p0 s4, $0x11  }
0xaa: {  	s5 =	sor.u32 @p0 s6, s5  }
0xab: {  	[sflag:s5] =	ssyncadd.remote.s32 @p0 $0x1;
	_ =	sdelay $0x1  }
0xac: {  	s5 =	simm.s32 @p0 $0x1B8D  }
0xad: {  	_ =	swait.eq @p0 [sflag:s5], $0x1  }
0xae: {  	[sflag:s5] =	ssyncadd.s32 @p0 $0xFFFFFFFF  }
0xaf: {  	s6 =	sshll.u32 @!p0 s1, $0xE  }
0xb0: {  	s6 =	sor.u32 @!p0 $0x4000, s6;
	s5 =	simm.s32 @!p0 $0x1B8D  }
0xb1: {  	s4 =	sshll.u32 @!p0 s4, $0x11;
	s6 =	sadd.s32 @!p0 $0x11B8D, s6;
	_ =	swait.eq @!p0 [sflag:s5], $0x1  }
0xb2: {  	s4 =	sor.u32 @!p0 s4, s6;
	[sflag:s5] =	ssyncadd.s32 @!p0 $0xFFFFFFFF  }
0xb3: {  	s25 =	simm.s32 $0x1B8E;
	s24 =	sld [smem:$0x3FFE];
	[sflag:s4] =	ssyncadd.remote.s32 @!p0 $0x1  }
0xb4: {  	s26 =	simm.s32 $execute0_lowered;
	[smem:$0x3FD2] =	sst s25  }
0xb5: {  	s5 =	sshll.u32 s26, $0x1;
	_ =	strace $0x80000049;
	[dreg:$0x1] =	wrdreg $0xFFFFFFFF  }
0xb6: {  	s28 =	simm.s32 $_size_execute0_lowered;
	s3 =	sadd.s32 s3, s5;
	[dreg:$0x0] =	wrdreg $0x0  }
0xb7: {  	s5 =	sshll.u32 s28, $0x1;
	[dreg:$0x2] =	wrdreg s3  }
0xb8: {  	[dreg:$0x3] =	wrdreg s5  }
0xb9: {  	[dreg:$0x4] =	wrdreg $0xC0  }
0xba: {  	_ =	task [dreg:s22], $0x5FFFF  }
0xbb: {  	[dreg:$0x1] =	wrdreg $0xFFFFFFFF  }
0xbc: {  	[dreg:$0x0] =	wrdreg $0x60  }
0xbd: {  	[dreg:$0x2] =	wrdreg s24  }
0xbe: {  	[dreg:$0x3] =	wrdreg $0x9  }
0xbf: {  	_ =	task.clear_ibuf [dreg:s22], $0x4FFFF;
	_ =	strace $0x90000049  }
0xc0: {  	s29 =	simm.s32 $0x9;
	_ =	strace $0x8000004B  }
0xc1: {  	_ =	swait.ge [sflag:s29], $0x1  }
0xc2: {  	[sflag:s29] =	ssyncadd.s32 $0xFFFFFFFF  }
0xc3: {  	_ =	strace $0x9000004B  }
0xc4: {  	_ =	sfence  }
0xc5: {  	s30 =	sld [smem:$0x0];
	_ =	sdelay $0x2  }
0xc6: {  	s31 =	sshll.u32 s1, $0xD;
	s1 =	sshrl.u32 s1, $0x2  }
0xc7: {  	s4 =	sand.u32 $0x4000, s31;
	s1 =	sadd.s32 s1, s30  }
0xc8: {  	s0 =	sor.u32 s4, s0;
	s1 =	sshll.u32 s1, $0x11  }
0xc9: {  	s0 =	sor.u32 s1, s0  }
0xca: {  	s0 =	sadd.s32 $0x8F2B, s0  }
0xcb: {  	[sflag:s0] =	ssyncadd.remote.s32 $0x1  }
0xcc: {  	_ =	sfence.sel $0xFFFF  }
0xcd: {  	[dreg:$0x0] =	wrdreg $0xFFFFFFFF;
	(pc) =	sbr.abs _section_cstart, $3  }
0xce: {  	[dreg:$0x1] =	wrdreg $0xFFFFFFFF  }
0xcf: {  	_ =	task.clear_ibuf [dreg:s22], $0x2FFFF;
	_ =	strace $0x9FFFFFFF  }
0xd0: {  	(tm) =	ssettm $0x7FFFFFFF  }
0xd1: {  	_ =	shalt  }
tec
execute0_lowered:
.L_overlay_start_1:
0x0: {  	(tag) =	ssettag $0x1  }
0x1: {  	s4 =	rddreg [dreg:$0x0]  }
0x2: {  	s0 =	rddreg [dreg:$0x1];
	s2 =	simm.s32 $0x0;
	s3 =	srdreg.scid  }
0x3: {  	s1 =	stileid.u32;
	s10 =	simm.s32 $0x1;
	s11 =	simm.s32 $0x0  }
0x4: {  	[smem:$0x7FF] =	sst s2;
	s5 =	sand.u32 $0x1, s3;
	s6 =	sshll.u32 s1, $0x8  }
0x5: {  	s3 =	sadd.s32 $0x106600, s4;
	s8 =	sshll.u32 s1, $0xA;
	p0 =	seq.s32 s1, $0x0  }
0x6: {  	_ =	strace $0x8000004A;
	s7 =	sshll.u32 s5, $0x7;
	s29 =	ssub.s32 $0x2, s5  }
0x7: {  	s8 =	sadd.s32 s8, s4;
	s30 =	sshll.u32 s5, $0x9;
	s6 =	sor.u32 s7, s6  }
0x8: {  	s9 =	sshrl.u32 s29, $0x1;
	s31 =	sadd.s32 s30, s8;
	s6 =	sshrl.u32 s6, $0x3  }
0x9: {  	s8 =	simm.s32 $0x2;
	s7 =	ssub.s32 s29, s9;
	s6 =	sadd.s32 s6, s4  }
0xa: {  	s4 =	simm.s32 $0x28;
	s5 =	smax.u32 s7, $0x1;
	s7 =	sadd.s32 $0x11A400, s31  }
0xb: {  	s9 =	simm.s32 $0x80;
	s4 =	simm.s32 @!p0 $0x27;
	s6 =	sadd.s32 $0x110400, s6  }
.LBB2_1:
0xc: {  	[tilespmem:s2], [sflag:$0x2] =	stream.linear.gather [hbm4b:s6+s2], $0x80, $0x38;
	[tilespmem:$0x1080] =	vst v63  }
0xd: {  	_ =	swait.ge [sflag:s8], $0x80  }
0xe: {  	[sflag:s8] =	ssyncset.done $0x0  }
0xf: {  	[sflag:s8] =	ssyncadd.s32 $0xFFFFFF80  }
0x10: {  	[tilespmem:s9], [sflag:$0x1] =	stream.indirect.gather [hbm4b:s3+s9], $0x20, s2, s9, $0xb8;
	[tilespmem:$0x1080] =	vst v63  }
0x11: {  	p0 =	sne.s32 s4, $0x1;
	_ =	swait.ge [sflag:s10], $0x1000  }
.Ltmp0:
0x12: {  	[sflag:s10] =	ssyncset.done $0x0;
	(pc) =	sbr.rel @!p0 .LBB2_3-.Ltmp0, $4  }
0x13: {  	[sflag:s10] =	ssyncadd.s32 $0xFFFFF000  }
0x14: {  	[hbm4b:s7+s2] =	stream.linear.scatter [tilespmem:s9], [sflag:$0x2], $0x1000, $0x38;
	[tilespmem:$0x1080] =	vst v63  }
0x15: {  	s12 =	sadd.s32 $0xFFFFFFFF, s4;
	_ =	swait.ge [sflag:s8], $0x1000  }
0x16: {  	s13 =	smov.u32 s6;
	s14 =	smov.u32 s7;
	[sflag:s8] =	ssyncset.done $0x0  }
.LBB2_2:
0x17: {  	[sflag:s8] =	ssyncadd.s32 $0xFFFFF000;
	s13 =	sadd.s32 $0x200, s13;
	s14 =	sadd.s32 $0x4000, s14  }
0x18: {  	[tilespmem:s2], [sflag:$0x2] =	stream.linear.gather [hbm4b:s13+s2], $0x80, $0x38;
	[tilespmem:$0x1080] =	vst v63  }
0x19: {  	p0 =	sne.s32 s12, $0x1;
	s12 =	sadd.s32 $0xFFFFFFFF, s12;
	_ =	swait.ge [sflag:s8], $0x80  }
0x1a: {  	[sflag:s8] =	ssyncset.done $0x0  }
0x1b: {  	[sflag:s8] =	ssyncadd.s32 $0xFFFFFF80  }
0x1c: {  	[tilespmem:s9], [sflag:$0x1] =	stream.indirect.gather [hbm4b:s3+s9], $0x20, s2, s9, $0xb8;
	[tilespmem:$0x1080] =	vst v63  }
0x1d: {  	_ =	swait.ge [sflag:s10], $0x1000  }
.Ltmp1:
0x1e: {  	[sflag:s10] =	ssyncset.done $0x0;
	(pc) =	sbr.rel @p0 .LBB2_2-.Ltmp1, $4  }
0x1f: {  	[sflag:s10] =	ssyncadd.s32 $0xFFFFF000  }
0x20: {  	[hbm4b:s14+s2] =	stream.linear.scatter [tilespmem:s9], [sflag:$0x2], $0x1000, $0x38;
	[tilespmem:$0x1080] =	vst v63  }
0x21: {  	_ =	swait.ge [sflag:s8], $0x1000  }
0x22: {  	[sflag:s8] =	ssyncset.done $0x0  }
.LBB2_3:
0x23: {  	s11 =	sadd.s32 $0x1, s11  }
0x24: {  	p0 =	sne.s32 s11, s5  }
.Ltmp2:
0x25: {  	_ = 	snop;
	(pc) =	sbr.rel @p0 .LBB2_1-.Ltmp2, $2  }
0x26: {  	_ =	sdelay $0x2  }
0x27: {  	[sflag:s8] =	ssyncadd.s32 $0xFFFFF000  }
0x28: {  	_ =	sfence.sel $0x180000  }
0x29: {  	[bflag:$0x0] =	sbarrier.arrive $0xFFFF  }
0x2a: {  	p0 =	sne.s32 s1, $0x0;
	_ =	strace $0x9000004A  }
0x2b: {  	s0 =	sadd.s32 @!p0 $0x100000, s0;
	[bflag:$0x2] =	sbarrier.arrive $0xFFFF  }
0x2c: {  	[sflag:s0] =	ssyncadd.tile.s32 @!p0 $0x1;
	_ =	shalt  }
.Lfunc_end2:
_tile_overlayer_lowered:
.L_overlay_start_2:
0x2d: {  	(tag) =	ssettag $0x2  }
0x2e: {  	s0 =	rddreg [dreg:$0x0];
	s2 =	stileid.u32  }
0x2f: {  	s1 =	rddreg [dreg:$0x1];
	p0 =	sne.s32 s2, $0x0  }
0x30: {  	s3 =	rddreg [dreg:$0x2];
	[bflag:$0x3] =	sbarrier.arrive $0xFFFF;
	s2 =	simm.s32 @!p0 $0x1C02  }
0x31: {  	[timem:s3], [sflag:s2] =	dma.local @!p0 [hbm:s0], s1  }
0x32: {  	s0 =	simm.s32 @!p0 $0x2  }
0x33: {  	_ =	swait.ge @!p0 [sflag:s0], s1  }
0x34: {  	s1 =	ssub.s32 @!p0 $0x0, s1;
	[sflag:s0] =	ssyncset.done @!p0 $0x0  }
0x35: {  	[sflag:s0] =	ssyncadd.s32 @!p0 s1  }
0x36: {  	[bflag:$0x3] =	sbarrier.arrive $0xFFFF  }
0x37: {  	_ =	shalt  }

// kernel: kernel.16.cloned.1.call-start
scs
__scs_entry_jumppad:
0x0: {  	(pc) =	sbr.rel $0x88, $3  }
0x1: {  	(tag) =	ssettag $0x0;
	lr =	simm.s32 $0x1  }
0x2: {  	[smem:$0x3F70] =	sst lr;
	_ =	strace $0xD0000000  }
0x3: {  	_ = 	snop  }
0x4: {  	_ = 	snop  }
0x5: {  	_ = 	snop  }
0x6: {  	_ = 	snop  }
0x7: {  	_ = 	snop  }
__scs_overlays_trampoline_lowered:
0x8: {  	[smem:$0x3F7F] =	sst s0  }
0x9: {  	[smem:$0x3F80] =	sst s1  }
0xa: {  	[smem:$0x3F81] =	sst s2  }
0xb: {  	[smem:$0x3F82] =	sst s3  }
0xc: {  	[smem:$0x3F83] =	sst s4  }
0xd: {  	[smem:$0x3F84] =	sst s5  }
0xe: {  	[smem:$0x3F85] =	sst s6  }
0xf: {  	[smem:$0x3F86] =	sst s7  }
0x10: {  	[smem:$0x3F87] =	sst s8  }
0x11: {  	[smem:$0x3F88] =	sst s9;
	s0 =	simm.s32 @!p0 $0x0  }
0x12: {  	s1 =	sld [smem:$0x3F6E];
	s0 =	simm.s32 @p0 $0x1  }
0x13: {  	[smem:$0x3F89] =	sst s0;
	s0 =	simm.s32 @!p1 $0x0  }
0x14: {  	s2 =	sld [smem:$0x3F6D];
	s0 =	simm.s32 @p1 $0x1  }
0x15: {  	[smem:$0x3F8A] =	sst s0;
	s0 =	simm.s32 @!p2 $0x0  }
0x16: {  	s3 =	sld [smem:$0x3FDB];
	s0 =	simm.s32 @p2 $0x1  }
0x17: {  	s4 =	simm.s32 $0x1BF5;
	[smem:$0x3F8C] =	sst s0  }
0x18: {  	s0 =	sld [smem:$0x3F6F];
	_ =	swait.ge [sflag:s4], $0x0  }
0x19: {  	s7 =	sld [smem:$0x3F70]  }
0x1a: {  	s8 =	sadd.s32 $0xFFFFE003, lr  }
0x1b: {  	s9 =	sadd.s32 $0xFFFFFEF7, lr;
	s5 =	simm.s32 $0xFFFFFFFF;
	p2 =	slt.u32 s8, $0xFFFFF086  }
0x1c: {  	p1 =	slt.u32 s9, $0xF7A;
	s5 =	simm.s32 @!p2 $0x0  }
0x1d: {  	s5 =	simm.s32 @p1 $0x1;
	p0 =	seq.s32 s7, s2  }
0x1e: {  	s7 =	smul.u32 @!p0 $0xF7A, s2;
	p2 =	seq.s32 @!p0 s5, $0x0  }
0x1f: {  	s9 =	smul.u32 $0xF7A, s1;
	s8 =	simm.s32 @!p0 $0x1BF5;
	p2 =	por !p2, p0  }
0x20: {  	[sflag:s8] =	ssyncset.s32 @!p0 $0xFFFFF086;
	s6 =	sadd.s32 @!p0 s3, s7;
	s7 =	simm.s32 @!p0 $0x108  }
0x21: {  	s3 =	sadd.s32 s3, s9;
	s6 =	sadd.s32 @!p0 $0x88, s6;
	s7 =	simm.s32 @p2 $0x1082  }
0x22: {  	[simem:s7], [sflag:s8] =	dma.local @!p0 [hbm:s6], $0xF7A  }
0x23: {  	s9 =	sor.u32 $0xD0000000, s2;
	s6 =	simm.s32 $0x108;
	_ =	swait.ge @!p0 [sflag:s8], $0x0  }
0x24: {  	s3 =	sadd.s32 $0x88, s3;
	s6 =	simm.s32 @!p1 $0x1082;
	[sflag:s4] =	ssyncset.s32 $0xFFFFF086  }
0x25: {  	[simem:s6], [sflag:s4] =	dma.local [hbm:s3], $0xF7A  }
0x26: {  	[smem:$0x3F70] =	sst s1;
	(tag) =	ssettag s2;
	_ =	strace s9  }
0x27: {  	s1 =	sld [smem:$0x3F80]  }
0x28: {  	s2 =	sld [smem:$0x3F81]  }
0x29: {  	s4 =	sld [smem:$0x3F83]  }
0x2a: {  	p0 =	seq.s32 s5, $0x0;
	s5 =	sld [smem:$0x3F84]  }
0x2b: {  	s6 =	sld [smem:$0x3F85]  }
0x2c: {  	s7 =	sld [smem:$0x3F86]  }
0x2d: {  	s3 =	simm.s32 $0x108;
	s8 =	sld [smem:$0x3F87]  }
0x2e: {  	s3 =	simm.s32 @!p0 $0x1082;
	s9 =	sld [smem:$0x3F88]  }
0x2f: {  	lr =	sadd.s32 s0, s3;
	s0 =	sld [smem:$0x3F7F]  }
0x30: {  	s3 =	sld [smem:$0x3F82]  }
0x31: {  	[smem:$0x3F8B] =	sst s10  }
0x32: {  	s10 =	sld [smem:$0x3F89];
	_ =	sdelay $0x3  }
0x33: {  	p0 =	seq.s32 s10, $0x1;
	s10 =	sld [smem:$0x3F8B];
	_ =	sdelay $0x3  }
0x34: {  	[smem:$0x3F8B] =	sst s10  }
0x35: {  	s10 =	sld [smem:$0x3F8A];
	_ =	sdelay $0x3  }
0x36: {  	p1 =	seq.s32 s10, $0x1;
	s10 =	sld [smem:$0x3F8B];
	_ =	sdelay $0x3  }
0x37: {  	[smem:$0x3F8B] =	sst s10  }
0x38: {  	s10 =	sld [smem:$0x3F8C]  }
0x39: {  	_ = 	snop;
	(pc) =	sbr.ind lr, $3  }
0x3a: {  	_ = 	snop  }
0x3b: {  	_ = 	snop  }
0x3c: {  	p2 =	seq.s32 s10, $0x1;
	s10 =	sld [smem:$0x3F8B]  }
0x3d: {  	_ =	shalt  }
0x3e: {  	_ =	shalt  }
0x3f: {  	_ =	shalt  }
0x40: {  	_ =	shalt  }
0x41: {  	_ =	shalt  }
0x42: {  	_ =	shalt  }
0x43: {  	_ =	shalt  }
0x44: {  	_ =	shalt  }
0x45: {  	_ =	shalt  }
0x46: {  	_ =	shalt  }
0x47: {  	_ =	shalt  }
0x48: {  	_ =	shalt  }
0x49: {  	_ =	shalt  }
0x4a: {  	_ =	shalt  }
0x4b: {  	_ =	shalt  }
0x4c: {  	_ =	shalt  }
0x4d: {  	_ =	shalt  }
0x4e: {  	_ =	shalt  }
0x4f: {  	_ =	shalt  }
0x50: {  	_ =	shalt  }
0x51: {  	_ =	shalt  }
0x52: {  	_ =	shalt  }
0x53: {  	_ =	shalt  }
0x54: {  	_ =	shalt  }
0x55: {  	_ =	shalt  }
0x56: {  	_ =	shalt  }
0x57: {  	_ =	shalt  }
0x58: {  	_ =	shalt  }
0x59: {  	_ =	shalt  }
0x5a: {  	_ =	shalt  }
0x5b: {  	_ =	shalt  }
0x5c: {  	_ =	shalt  }
0x5d: {  	_ =	shalt  }
0x5e: {  	_ =	shalt  }
0x5f: {  	_ =	shalt  }
0x60: {  	_ =	shalt  }
0x61: {  	_ =	shalt  }
0x62: {  	_ =	shalt  }
0x63: {  	_ =	shalt  }
0x64: {  	_ =	shalt  }
0x65: {  	_ =	shalt  }
0x66: {  	_ =	shalt  }
0x67: {  	_ =	shalt  }
0x68: {  	_ =	shalt  }
0x69: {  	_ =	shalt  }
0x6a: {  	_ =	shalt  }
0x6b: {  	_ =	shalt  }
0x6c: {  	_ =	shalt  }
0x6d: {  	_ =	shalt  }
0x6e: {  	_ =	shalt  }
0x6f: {  	_ =	shalt  }
0x70: {  	_ =	shalt  }
0x71: {  	_ =	shalt  }
0x72: {  	_ =	shalt  }
0x73: {  	_ =	shalt  }
0x74: {  	_ =	shalt  }
0x75: {  	_ =	shalt  }
0x76: {  	_ =	shalt  }
0x77: {  	_ =	shalt  }
0x78: {  	_ =	shalt  }
0x79: {  	_ =	shalt  }
0x7a: {  	_ =	shalt  }
0x7b: {  	_ =	shalt  }
0x7c: {  	_ =	shalt  }
0x7d: {  	_ =	shalt  }
0x7e: {  	_ =	shalt  }
0x7f: {  	_ =	shalt  }
0x80: {  	_ =	shalt  }
0x81: {  	_ =	shalt  }
0x82: {  	_ =	shalt  }
0x83: {  	_ =	shalt  }
0x84: {  	_ =	shalt  }
0x85: {  	_ =	shalt  }
0x86: {  	_ =	shalt  }
0x87: {  	_ =	shalt  }
.Lfunc_end0:
.L_simem_size_0:
called_computation.1_lowered:
.L_overlay_start_0:
0x88: {  	s2 =	sld [smem:$0x3FD9]  }
0x89: {  	s3 =	sld [smem:$0x3FFE];
	_ =	sdelay $0x1  }
0x8a: {  	s1 =	srdreg.scid  }
0x8b: {  	s0 =	sand.u32 $0x1, s1  }
0x8c: {  	s16 =	sshll.u32 s0, $0xA;
	s2 =	sadd.s32 s3, s2  }
0x8d: {  	s2 =	sadd.s32 s2, s16  }
0x8e: {  	[smem:$0x3F97] =	sst s2  }
0x8f: {  	_ = 	snop  }
0x90: {  	(tm) =	ssettm $0x1  }
0x91: {  	s17 =	sld [smem:$0x3FFB];
	_ =	sdelay $0x3  }
0x92: {  	_ =	strace s17  }
0x93: {  	s2 =	sld [smem:$0x3FFC];
	_ =	sdelay $0x3  }
0x94: {  	_ =	strace s2  }
0x95: {  	s2 =	sld [smem:$0x3FFD];
	_ =	sdelay $0x3  }
0x96: {  	_ =	strace s2  }
0x97: {  	_ =	strace $0x8FFFFFFF  }
0x98: {  	s18 =	sld [smem:$0x3FDB];
	_ =	sdelay $0x1  }
0x99: {  	s19 =	simm.s32 $_scs_section_size  }
0x9a: {  	s4 =	simm.s32 $_size__tile_overlayer_lowered;
	s5 =	simm.s32 $_tile_overlayer_lowered  }
0x9b: {  	s22 =	simm.s32 $0x1BFF;
	s21 =	sshll.u32 s5, $0x1;
	s2 =	sadd.s32 s19, s18  }
0x9c: {  	s6 =	simm.s32 $0x0;
	s20 =	sshll.u32 s4, $0x1;
	s4 =	sadd.s32 s21, s2  }
0x9d: {  	[timem:s6], [sflag:s22] =	dma.local [hbm:s4], s20  }
0x9e: {  	_ =	swait.ge [sflag:s22], s20  }
0x9f: {  	s3 =	ssub.s32 $0x0, s20;
	[sflag:s22] =	ssyncset.done $0x0  }
0xa0: {  	[sflag:s22] =	ssyncadd.s32 s3;
	_ =	sdelay $0x1  }
0xa1: {  	s23 =	simm.s32 $0x1B8B  }
0xa2: {  	_ =	swait.ge [sflag:s23], $0x1  }
0xa3: {  	[sflag:s23] =	ssyncset.done $0x0  }
0xa4: {  	s25 =	simm.s32 $0x1B8E;
	s24 =	sld [smem:$0x3FFE];
	[sflag:s23] =	ssyncadd.s32 $0xFFFFFFFF  }
0xa5: {  	s26 =	simm.s32 $execute0_lowered;
	[smem:$0x3FD2] =	sst s25  }
0xa6: {  	s4 =	sshll.u32 s26, $0x1;
	_ =	strace $0x80000046;
	[dreg:$0x1] =	wrdreg $0xFFFFFFFF  }
0xa7: {  	s28 =	simm.s32 $_size_execute0_lowered;
	s2 =	sadd.s32 s2, s4;
	[dreg:$0x0] =	wrdreg $0x0  }
0xa8: {  	s4 =	sshll.u32 s28, $0x1;
	[dreg:$0x2] =	wrdreg s2  }
0xa9: {  	[dreg:$0x3] =	wrdreg s4  }
0xaa: {  	[dreg:$0x4] =	wrdreg $0xC0  }
0xab: {  	_ =	task [dreg:s6], $0x5FFFF  }
0xac: {  	[dreg:$0x1] =	wrdreg $0xFFFFFFFF  }
0xad: {  	[dreg:$0x0] =	wrdreg $0x60  }
0xae: {  	[dreg:$0x2] =	wrdreg s24  }
0xaf: {  	[dreg:$0x3] =	wrdreg $0xA  }
0xb0: {  	_ =	task.clear_ibuf [dreg:s6], $0x4FFFF;
	_ =	strace $0x90000046  }
0xb1: {  	s29 =	simm.s32 $0xA;
	_ =	strace $0x80000048  }
0xb2: {  	_ =	swait.ge [sflag:s29], $0x1  }
0xb3: {  	[sflag:s29] =	ssyncadd.s32 $0xFFFFFFFF  }
0xb4: {  	_ =	strace $0x90000048  }
0xb5: {  	_ =	sfence  }
0xb6: {  	s30 =	sld [smem:$0x0];
	_ =	sdelay $0x2  }
0xb7: {  	s31 =	sshll.u32 s1, $0xD;
	s1 =	sshrl.u32 s1, $0x2  }
0xb8: {  	s3 =	sand.u32 $0x4000, s31;
	s1 =	sadd.s32 s1, s30  }
0xb9: {  	s0 =	sor.u32 s3, s0;
	s1 =	sshll.u32 s1, $0x11  }
0xba: {  	s0 =	sor.u32 s1, s0  }
0xbb: {  	s0 =	sadd.s32 $0x8F2B, s0  }
0xbc: {  	[sflag:s0] =	ssyncadd.remote.s32 $0x1  }
0xbd: {  	_ =	sfence.sel $0xFFFF  }
0xbe: {  	[dreg:$0x0] =	wrdreg $0xFFFFFFFF;
	(pc) =	sbr.abs _section_cstart, $3  }
0xbf: {  	[dreg:$0x1] =	wrdreg $0xFFFFFFFF  }
0xc0: {  	_ =	task.clear_ibuf [dreg:s6], $0x2FFFF;
	_ =	strace $0x9FFFFFFF  }
0xc1: {  	(tm) =	ssettm $0x7FFFFFFF  }
tec
execute0_lowered:
.L_overlay_start_1:
0x0: {  	(tag) =	ssettag $0x1  }
0x1: {  	s4 =	rddreg [dreg:$0x0]  }
0x2: {  	s0 =	rddreg [dreg:$0x1];
	s2 =	simm.s32 $0x0;
	s3 =	srdreg.scid  }
0x3: {  	s1 =	stileid.u32;
	s10 =	simm.s32 $0x1;
	s11 =	simm.s32 $0x0  }
0x4: {  	[smem:$0x7FF] =	sst s2;
	s5 =	sand.u32 $0x1, s3;
	s6 =	sshll.u32 s1, $0x8  }
0x5: {  	s3 =	sadd.s32 $0x56400, s4;
	s8 =	sshll.u32 s1, $0xA;
	p0 =	seq.s32 s1, $0x0  }
0x6: {  	_ =	strace $0x80000047;
	s7 =	sshll.u32 s5, $0x7;
	s29 =	ssub.s32 $0x2, s5  }
0x7: {  	s8 =	sadd.s32 s8, s4;
	s30 =	sshll.u32 s5, $0x9;
	s6 =	sor.u32 s7, s6  }
0x8: {  	s9 =	sshrl.u32 s29, $0x1;
	s31 =	sadd.s32 s30, s8;
	s8 =	simm.s32 $0x2  }
0x9: {  	s6 =	sshrl.u32 s6, $0x3;
	s7 =	ssub.s32 s29, s9;
	s9 =	simm.s32 $0x80  }
0xa: {  	s6 =	sadd.s32 s6, s4;
	s4 =	simm.s32 $0x28;
	s5 =	smax.u32 s7, $0x1  }
0xb: {  	s7 =	sadd.s32 $0x6A200, s31;
	s4 =	simm.s32 @!p0 $0x27;
	s6 =	sadd.s32 $0x60200, s6  }
.LBB2_1:
0xc: {  	[tilespmem:s2], [sflag:$0x2] =	stream.linear.gather [hbm4b:s6+s2], $0x80, $0x38;
	[tilespmem:$0x1080] =	vst v63  }
0xd: {  	_ =	swait.ge [sflag:s8], $0x80  }
0xe: {  	[sflag:s8] =	ssyncset.done $0x0  }
0xf: {  	[sflag:s8] =	ssyncadd.s32 $0xFFFFFF80  }
0x10: {  	[tilespmem:s9], [sflag:$0x1] =	stream.indirect.gather [hbm4b:s3+s9], $0x20, s2, s9, $0xb8;
	[tilespmem:$0x1080] =	vst v63  }
0x11: {  	p0 =	sne.s32 s4, $0x1;
	_ =	swait.ge [sflag:s10], $0x1000  }
.Ltmp0:
0x12: {  	[sflag:s10] =	ssyncset.done $0x0;
	(pc) =	sbr.rel @!p0 .LBB2_3-.Ltmp0, $4  }
0x13: {  	[sflag:s10] =	ssyncadd.s32 $0xFFFFF000  }
0x14: {  	[hbm4b:s7+s2] =	stream.linear.scatter [tilespmem:s9], [sflag:$0x2], $0x1000, $0x38;
	[tilespmem:$0x1080] =	vst v63  }
0x15: {  	s12 =	sadd.s32 $0xFFFFFFFF, s4;
	_ =	swait.ge [sflag:s8], $0x1000  }
0x16: {  	s13 =	smov.u32 s6;
	s14 =	smov.u32 s7;
	[sflag:s8] =	ssyncset.done $0x0  }
.LBB2_2:
0x17: {  	[sflag:s8] =	ssyncadd.s32 $0xFFFFF000;
	s13 =	sadd.s32 $0x200, s13;
	s14 =	sadd.s32 $0x4000, s14  }
0x18: {  	[tilespmem:s2], [sflag:$0x2] =	stream.linear.gather [hbm4b:s13+s2], $0x80, $0x38;
	[tilespmem:$0x1080] =	vst v63  }
0x19: {  	p0 =	sne.s32 s12, $0x1;
	s12 =	sadd.s32 $0xFFFFFFFF, s12;
	_ =	swait.ge [sflag:s8], $0x80  }
0x1a: {  	[sflag:s8] =	ssyncset.done $0x0  }
0x1b: {  	[sflag:s8] =	ssyncadd.s32 $0xFFFFFF80  }
0x1c: {  	[tilespmem:s9], [sflag:$0x1] =	stream.indirect.gather [hbm4b:s3+s9], $0x20, s2, s9, $0xb8;
	[tilespmem:$0x1080] =	vst v63  }
0x1d: {  	_ =	swait.ge [sflag:s10], $0x1000  }
.Ltmp1:
0x1e: {  	[sflag:s10] =	ssyncset.done $0x0;
	(pc) =	sbr.rel @p0 .LBB2_2-.Ltmp1, $4  }
0x1f: {  	[sflag:s10] =	ssyncadd.s32 $0xFFFFF000  }
0x20: {  	[hbm4b:s14+s2] =	stream.linear.scatter [tilespmem:s9], [sflag:$0x2], $0x1000, $0x38;
	[tilespmem:$0x1080] =	vst v63  }
0x21: {  	_ =	swait.ge [sflag:s8], $0x1000  }
0x22: {  	[sflag:s8] =	ssyncset.done $0x0  }
.LBB2_3:
0x23: {  	s11 =	sadd.s32 $0x1, s11  }
0x24: {  	p0 =	sne.s32 s11, s5  }
.Ltmp2:
0x25: {  	_ = 	snop;
	(pc) =	sbr.rel @p0 .LBB2_1-.Ltmp2, $2  }
0x26: {  	_ =	sdelay $0x2  }
0x27: {  	[sflag:s8] =	ssyncadd.s32 $0xFFFFF000  }
0x28: {  	_ =	sfence.sel $0x180000  }
0x29: {  	[bflag:$0x0] =	sbarrier.arrive $0xFFFF  }
0x2a: {  	p0 =	sne.s32 s1, $0x0;
	_ =	strace $0x90000047  }
0x2b: {  	s0 =	sadd.s32 @!p0 $0x100000, s0;
	[bflag:$0x2] =	sbarrier.arrive $0xFFFF  }
0x2c: {  	[sflag:s0] =	ssyncadd.tile.s32 @!p0 $0x1;
	_ =	shalt  }
.Lfunc_end2:
_tile_overlayer_lowered:
.L_overlay_start_2:
0x2d: {  	(tag) =	ssettag $0x2  }
0x2e: {  	s0 =	rddreg [dreg:$0x0];
	s2 =	stileid.u32  }
0x2f: {  	s1 =	rddreg [dreg:$0x1];
	p0 =	sne.s32 s2, $0x0  }
0x30: {  	s3 =	rddreg [dreg:$0x2];
	[bflag:$0x3] =	sbarrier.arrive $0xFFFF;
	s2 =	simm.s32 @!p0 $0x1C02  }
0x31: {  	[timem:s3], [sflag:s2] =	dma.local @!p0 [hbm:s0], s1  }
0x32: {  	s0 =	simm.s32 @!p0 $0x2  }
0x33: {  	_ =	swait.ge @!p0 [sflag:s0], s1  }
0x34: {  	s1 =	ssub.s32 @!p0 $0x0, s1;
	[sflag:s0] =	ssyncset.done @!p0 $0x0  }
0x35: {  	[sflag:s0] =	ssyncadd.s32 @!p0 s1  }
0x36: {  	[bflag:$0x3] =	sbarrier.arrive $0xFFFF  }
0x37: {  	_ =	shalt  }

// kernel: kernel.19.cloned.1.call-start
scs
__scs_entry_jumppad:
0x0: {  	(pc) =	sbr.rel $0x88, $3  }
0x1: {  	(tag) =	ssettag $0x0;
	lr =	simm.s32 $0x1  }
0x2: {  	[smem:$0x3F70] =	sst lr;
	_ =	strace $0xD0000000  }
0x3: {  	_ = 	snop  }
0x4: {  	_ = 	snop  }
0x5: {  	_ = 	snop  }
0x6: {  	_ = 	snop  }
0x7: {  	_ = 	snop  }
__scs_overlays_trampoline_lowered:
0x8: {  	[smem:$0x3F7F] =	sst s0  }
0x9: {  	[smem:$0x3F80] =	sst s1  }
0xa: {  	[smem:$0x3F81] =	sst s2  }
0xb: {  	[smem:$0x3F82] =	sst s3  }
0xc: {  	[smem:$0x3F83] =	sst s4  }
0xd: {  	[smem:$0x3F84] =	sst s5  }
0xe: {  	[smem:$0x3F85] =	sst s6  }
0xf: {  	[smem:$0x3F86] =	sst s7  }
0x10: {  	[smem:$0x3F87] =	sst s8  }
0x11: {  	[smem:$0x3F88] =	sst s9;
	s0 =	simm.s32 @!p0 $0x0  }
0x12: {  	s1 =	sld [smem:$0x3F6E];
	s0 =	simm.s32 @p0 $0x1  }
0x13: {  	[smem:$0x3F89] =	sst s0;
	s0 =	simm.s32 @!p1 $0x0  }
0x14: {  	s2 =	sld [smem:$0x3F6D];
	s0 =	simm.s32 @p1 $0x1  }
0x15: {  	[smem:$0x3F8A] =	sst s0;
	s0 =	simm.s32 @!p2 $0x0  }
0x16: {  	s3 =	sld [smem:$0x3FDB];
	s0 =	simm.s32 @p2 $0x1  }
0x17: {  	s4 =	simm.s32 $0x1BF5;
	[smem:$0x3F8C] =	sst s0  }
0x18: {  	s0 =	sld [smem:$0x3F6F];
	_ =	swait.ge [sflag:s4], $0x0  }
0x19: {  	s7 =	sld [smem:$0x3F70]  }
0x1a: {  	s8 =	sadd.s32 $0xFFFFE003, lr  }
0x1b: {  	s9 =	sadd.s32 $0xFFFFFEF7, lr;
	s5 =	simm.s32 $0xFFFFFFFF;
	p2 =	slt.u32 s8, $0xFFFFF086  }
0x1c: {  	p1 =	slt.u32 s9, $0xF7A;
	s5 =	simm.s32 @!p2 $0x0  }
0x1d: {  	s5 =	simm.s32 @p1 $0x1;
	p0 =	seq.s32 s7, s2  }
0x1e: {  	s7 =	smul.u32 @!p0 $0xF7A, s2;
	p2 =	seq.s32 @!p0 s5, $0x0  }
0x1f: {  	s9 =	smul.u32 $0xF7A, s1;
	s8 =	simm.s32 @!p0 $0x1BF5;
	p2 =	por !p2, p0  }
0x20: {  	[sflag:s8] =	ssyncset.s32 @!p0 $0xFFFFF086;
	s6 =	sadd.s32 @!p0 s3, s7;
	s7 =	simm.s32 @!p0 $0x108  }
0x21: {  	s3 =	sadd.s32 s3, s9;
	s6 =	sadd.s32 @!p0 $0x88, s6;
	s7 =	simm.s32 @p2 $0x1082  }
0x22: {  	[simem:s7], [sflag:s8] =	dma.local @!p0 [hbm:s6], $0xF7A  }
0x23: {  	s9 =	sor.u32 $0xD0000000, s2;
	s6 =	simm.s32 $0x108;
	_ =	swait.ge @!p0 [sflag:s8], $0x0  }
0x24: {  	s3 =	sadd.s32 $0x88, s3;
	s6 =	simm.s32 @!p1 $0x1082;
	[sflag:s4] =	ssyncset.s32 $0xFFFFF086  }
0x25: {  	[simem:s6], [sflag:s4] =	dma.local [hbm:s3], $0xF7A  }
0x26: {  	[smem:$0x3F70] =	sst s1;
	(tag) =	ssettag s2;
	_ =	strace s9  }
0x27: {  	s1 =	sld [smem:$0x3F80]  }
0x28: {  	s2 =	sld [smem:$0x3F81]  }
0x29: {  	s4 =	sld [smem:$0x3F83]  }
0x2a: {  	p0 =	seq.s32 s5, $0x0;
	s5 =	sld [smem:$0x3F84]  }
0x2b: {  	s6 =	sld [smem:$0x3F85]  }
0x2c: {  	s7 =	sld [smem:$0x3F86]  }
0x2d: {  	s3 =	simm.s32 $0x108;
	s8 =	sld [smem:$0x3F87]  }
0x2e: {  	s3 =	simm.s32 @!p0 $0x1082;
	s9 =	sld [smem:$0x3F88]  }
0x2f: {  	lr =	sadd.s32 s0, s3;
	s0 =	sld [smem:$0x3F7F]  }
0x30: {  	s3 =	sld [smem:$0x3F82]  }
0x31: {  	[smem:$0x3F8B] =	sst s10  }
0x32: {  	s10 =	sld [smem:$0x3F89];
	_ =	sdelay $0x3  }
0x33: {  	p0 =	seq.s32 s10, $0x1;
	s10 =	sld [smem:$0x3F8B];
	_ =	sdelay $0x3  }
0x34: {  	[smem:$0x3F8B] =	sst s10  }
0x35: {  	s10 =	sld [smem:$0x3F8A];
	_ =	sdelay $0x3  }
0x36: {  	p1 =	seq.s32 s10, $0x1;
	s10 =	sld [smem:$0x3F8B];
	_ =	sdelay $0x3  }
0x37: {  	[smem:$0x3F8B] =	sst s10  }
0x38: {  	s10 =	sld [smem:$0x3F8C]  }
0x39: {  	_ = 	snop;
	(pc) =	sbr.ind lr, $3  }
0x3a: {  	_ = 	snop  }
0x3b: {  	_ = 	snop  }
0x3c: {  	p2 =	seq.s32 s10, $0x1;
	s10 =	sld [smem:$0x3F8B]  }
0x3d: {  	_ =	shalt  }
0x3e: {  	_ =	shalt  }
0x3f: {  	_ =	shalt  }
0x40: {  	_ =	shalt  }
0x41: {  	_ =	shalt  }
0x42: {  	_ =	shalt  }
0x43: {  	_ =	shalt  }
0x44: {  	_ =	shalt  }
0x45: {  	_ =	shalt  }
0x46: {  	_ =	shalt  }
0x47: {  	_ =	shalt  }
0x48: {  	_ =	shalt  }
0x49: {  	_ =	shalt  }
0x4a: {  	_ =	shalt  }
0x4b: {  	_ =	shalt  }
0x4c: {  	_ =	shalt  }
0x4d: {  	_ =	shalt  }
0x4e: {  	_ =	shalt  }
0x4f: {  	_ =	shalt  }
0x50: {  	_ =	shalt  }
0x51: {  	_ =	shalt  }
0x52: {  	_ =	shalt  }
0x53: {  	_ =	shalt  }
0x54: {  	_ =	shalt  }
0x55: {  	_ =	shalt  }
0x56: {  	_ =	shalt  }
0x57: {  	_ =	shalt  }
0x58: {  	_ =	shalt  }
0x59: {  	_ =	shalt  }
0x5a: {  	_ =	shalt  }
0x5b: {  	_ =	shalt  }
0x5c: {  	_ =	shalt  }
0x5d: {  	_ =	shalt  }
0x5e: {  	_ =	shalt  }
0x5f: {  	_ =	shalt  }
0x60: {  	_ =	shalt  }
0x61: {  	_ =	shalt  }
0x62: {  	_ =	shalt  }
0x63: {  	_ =	shalt  }
0x64: {  	_ =	shalt  }
0x65: {  	_ =	shalt  }
0x66: {  	_ =	shalt  }
0x67: {  	_ =	shalt  }
0x68: {  	_ =	shalt  }
0x69: {  	_ =	shalt  }
0x6a: {  	_ =	shalt  }
0x6b: {  	_ =	shalt  }
0x6c: {  	_ =	shalt  }
0x6d: {  	_ =	shalt  }
0x6e: {  	_ =	shalt  }
0x6f: {  	_ =	shalt  }
0x70: {  	_ =	shalt  }
0x71: {  	_ =	shalt  }
0x72: {  	_ =	shalt  }
0x73: {  	_ =	shalt  }
0x74: {  	_ =	shalt  }
0x75: {  	_ =	shalt  }
0x76: {  	_ =	shalt  }
0x77: {  	_ =	shalt  }
0x78: {  	_ =	shalt  }
0x79: {  	_ =	shalt  }
0x7a: {  	_ =	shalt  }
0x7b: {  	_ =	shalt  }
0x7c: {  	_ =	shalt  }
0x7d: {  	_ =	shalt  }
0x7e: {  	_ =	shalt  }
0x7f: {  	_ =	shalt  }
0x80: {  	_ =	shalt  }
0x81: {  	_ =	shalt  }
0x82: {  	_ =	shalt  }
0x83: {  	_ =	shalt  }
0x84: {  	_ =	shalt  }
0x85: {  	_ =	shalt  }
0x86: {  	_ =	shalt  }
0x87: {  	_ =	shalt  }
.Lfunc_end0:
.L_simem_size_0:
called_computation.2_lowered:
.L_overlay_start_0:
0x88: {  	s2 =	sld [smem:$0x3FD9]  }
0x89: {  	s3 =	sld [smem:$0x3FFE];
	_ =	sdelay $0x1  }
0x8a: {  	s1 =	srdreg.scid  }
0x8b: {  	s0 =	sand.u32 $0x1, s1  }
0x8c: {  	s17 =	sshll.u32 s0, $0xA;
	s2 =	sadd.s32 s3, s2  }
0x8d: {  	s2 =	sadd.s32 s2, s17  }
0x8e: {  	[smem:$0x3F97] =	sst s2  }
0x8f: {  	_ = 	snop  }
0x90: {  	(tm) =	ssettm $0x1  }
0x91: {  	s18 =	sld [smem:$0x3FFB];
	_ =	sdelay $0x3  }
0x92: {  	_ =	strace s18  }
0x93: {  	s2 =	sld [smem:$0x3FFC];
	_ =	sdelay $0x3  }
0x94: {  	_ =	strace s2  }
0x95: {  	s2 =	sld [smem:$0x3FFD];
	_ =	sdelay $0x3  }
0x96: {  	_ =	strace s2  }
0x97: {  	_ =	strace $0x8FFFFFFF  }
0x98: {  	s19 =	sld [smem:$0x3FDB];
	_ =	sdelay $0x1  }
0x99: {  	s20 =	simm.s32 $_scs_section_size  }
0x9a: {  	s4 =	simm.s32 $_size__tile_overlayer_lowered;
	s5 =	simm.s32 $_tile_overlayer_lowered  }
0x9b: {  	s6 =	simm.s32 $0x1BFF;
	s21 =	sshll.u32 s5, $0x1;
	s3 =	sadd.s32 s20, s19  }
0x9c: {  	s22 =	simm.s32 $0x0;
	s4 =	sshll.u32 s4, $0x1;
	s5 =	sadd.s32 s21, s3  }
0x9d: {  	[timem:s22], [sflag:s6] =	dma.local [hbm:s5], s4  }
0x9e: {  	_ =	swait.ge [sflag:s6], s4  }
0x9f: {  	s4 =	ssub.s32 $0x0, s4;
	[sflag:s6] =	ssyncset.done $0x0  }
0xa0: {  	[sflag:s6] =	ssyncadd.s32 s4;
	_ =	sdelay $0x1  }
0xa1: {  	s23 =	simm.s32 $0x1B8B  }
0xa2: {  	_ =	swait.ge [sflag:s23], $0x1  }
0xa3: {  	[sflag:s23] =	ssyncset.done $0x0  }
0xa4: {  	[sflag:s23] =	ssyncadd.s32 $0xFFFFFFFF  }
0xa5: {  	s4 =	sld [smem:$0x0]  }
0xa6: {  	s5 =	sand.u32 $0xFFFFFFFE, s1  }
0xa7: {  	p0 =	sne.s32 s1, s5  }
0xa8: {  	s5 =	sshll.u32 @p0 s5, $0xE  }
0xa9: {  	s5 =	sadd.s32 @p0 $0x11B8D, s5;
	s6 =	sshll.u32 @p0 s4, $0x11  }
0xaa: {  	s5 =	sor.u32 @p0 s6, s5  }
0xab: {  	[sflag:s5] =	ssyncadd.remote.s32 @p0 $0x1;
	_ =	sdelay $0x1  }
0xac: {  	s5 =	simm.s32 @p0 $0x1B8D  }
0xad: {  	_ =	swait.eq @p0 [sflag:s5], $0x1  }
0xae: {  	[sflag:s5] =	ssyncadd.s32 @p0 $0xFFFFFFFF  }
0xaf: {  	s6 =	sshll.u32 @!p0 s1, $0xE  }
0xb0: {  	s6 =	sor.u32 @!p0 $0x4000, s6;
	s5 =	simm.s32 @!p0 $0x1B8D  }
0xb1: {  	s4 =	sshll.u32 @!p0 s4, $0x11;
	s6 =	sadd.s32 @!p0 $0x11B8D, s6;
	_ =	swait.eq @!p0 [sflag:s5], $0x1  }
0xb2: {  	s4 =	sor.u32 @!p0 s4, s6;
	[sflag:s5] =	ssyncadd.s32 @!p0 $0xFFFFFFFF  }
0xb3: {  	s25 =	simm.s32 $0x1B8E;
	s24 =	sld [smem:$0x3FFE];
	[sflag:s4] =	ssyncadd.remote.s32 @!p0 $0x1  }
0xb4: {  	s26 =	simm.s32 $execute0_lowered;
	[smem:$0x3FD2] =	sst s25  }
0xb5: {  	s5 =	sshll.u32 s26, $0x1;
	_ =	strace $0x8000004F;
	[dreg:$0x1] =	wrdreg $0xFFFFFFFF  }
0xb6: {  	s28 =	simm.s32 $_size_execute0_lowered;
	s3 =	sadd.s32 s3, s5;
	[dreg:$0x0] =	wrdreg $0x0  }
0xb7: {  	s5 =	sshll.u32 s28, $0x1;
	[dreg:$0x2] =	wrdreg s3  }
0xb8: {  	[dreg:$0x3] =	wrdreg s5  }
0xb9: {  	[dreg:$0x4] =	wrdreg $0xC0  }
0xba: {  	_ =	task [dreg:s22], $0x5FFFF  }
0xbb: {  	[dreg:$0x1] =	wrdreg $0xFFFFFFFF  }
0xbc: {  	[dreg:$0x0] =	wrdreg $0x60  }
0xbd: {  	[dreg:$0x2] =	wrdreg s24  }
0xbe: {  	[dreg:$0x3] =	wrdreg $0x0  }
0xbf: {  	[dreg:$0x4] =	wrdreg $0x9  }
0xc0: {  	_ =	task.clear_ibuf [dreg:s22], $0x5FFFF;
	_ =	strace $0x9000004F  }
0xc1: {  	s29 =	simm.s32 $0x9;
	_ =	strace $0x80000051  }
0xc2: {  	_ =	swait.ge [sflag:s29], $0x1  }
0xc3: {  	[sflag:s29] =	ssyncadd.s32 $0xFFFFFFFF  }
0xc4: {  	_ =	strace $0x90000051  }
0xc5: {  	_ =	sfence  }
0xc6: {  	s30 =	sld [smem:$0x0];
	_ =	sdelay $0x2  }
0xc7: {  	s31 =	sshll.u32 s1, $0xD;
	s1 =	sshrl.u32 s1, $0x2  }
0xc8: {  	s4 =	sand.u32 $0x4000, s31;
	s1 =	sadd.s32 s1, s30  }
0xc9: {  	s0 =	sor.u32 s4, s0;
	s1 =	sshll.u32 s1, $0x11  }
0xca: {  	s0 =	sor.u32 s1, s0  }
0xcb: {  	s0 =	sadd.s32 $0x8F2B, s0  }
0xcc: {  	[sflag:s0] =	ssyncadd.remote.s32 $0x1  }
0xcd: {  	_ =	sfence.sel $0xFFFF  }
0xce: {  	[dreg:$0x0] =	wrdreg $0xFFFFFFFF;
	(pc) =	sbr.abs _section_cstart, $3  }
0xcf: {  	[dreg:$0x1] =	wrdreg $0xFFFFFFFF  }
0xd0: {  	_ =	task.clear_ibuf [dreg:s22], $0x2FFFF;
	_ =	strace $0x9FFFFFFF  }
0xd1: {  	(tm) =	ssettm $0x7FFFFFFF  }
tec
execute0_lowered:
.L_overlay_start_1:
0x0: {  	(tag) =	ssettag $0x1  }
0x1: {  	s4 =	rddreg [dreg:$0x0]  }
0x2: {  	s1 =	rddreg [dreg:$0x1]  }
0x3: {  	s0 =	rddreg [dreg:$0x2]  }
0x4: {  	s2 =	simm.s32 $0x0;
	s3 =	srdreg.scid;
	s13 =	stileid.u32  }
0x5: {  	s11 =	simm.s32 $0x4EA0;
	s12 =	simm.s32 $0x80;
	s15 =	simm.s32 $0x0  }
0x6: {  	[smem:$0x7FF] =	sst s2;
	s5 =	sand.u32 $0x1, s3;
	s6 =	sshll.u32 s13, $0x8  }
0x7: {  	s8 =	smul.u32 $0x4E20, s13;
	s9 =	sshll.u32 s13, $0xA;
	p0 =	sne.s32 s13, $0x0  }
0x8: {  	s13 =	sshll.u32 s13, $0x6;
	s3 =	smul.u32 $0x4E200, s5;
	s7 =	sshll.u32 s5, $0x7  }
0x9: {  	_ =	strace $0x80000050;
	s28 =	sadd.s32 s9, s4;
	s10 =	ssub.s32 $0x2, s5  }
0xa: {  	s31 =	sshll.u32 s5, $0x9;
	s13 =	sor.u32 $0x1C01, s13;
	s6 =	sor.u32 s7, s6  }
0xb: {  	s30 =	sshrl.u32 s10, $0x1;
	s14 =	sadd.s32 s8, s1;
	s7 =	sadd.s32 s31, s28  }
0xc: {  	s6 =	sshrl.u32 s6, $0x3;
	s3 =	sadd.s32 s8, s3;
	s9 =	ssub.s32 s10, s30  }
0xd: {  	s7 =	sadd.s32 $0x11A400, s7;
	s8 =	sshrl.u32 @!p0 s1, $0x3;
	s10 =	simm.s32 $0x1  }
0xe: {  	s6 =	sadd.s32 s6, s4;
	s29 =	sshrl.u32 s3, $0x3;
	s3 =	sadd.s32 $0x56400, s4  }
0xf: {  	s5 =	smax.u32 s9, $0x1;
	s9 =	simm.s32 $0x4E20;
	s4 =	sadd.s32 s29, s4  }
0x10: {  	s14 =	sshrl.u32 s14, $0x3;
	s6 =	sadd.s32 $0x115400, s6;
	s4 =	sadd.s32 $0x1CA200, s4  }
.LBB2_1:
0x11: {  	s16 =	simm.s32 @!p0 $0x1C01  }
0x12: {  	[spmem:s8], [sflag:s16] =	dma.local @!p0 [hbm:s3], $0x9C40  }
0x13: {  	s16 =	simm.s32 @!p0 $0x1  }
0x14: {  	_ =	swait.ge @!p0 [sflag:s16], $0x9C40  }
0x15: {  	[sflag:s16] =	ssyncset.done @!p0 $0x0  }
0x16: {  	[sflag:s16] =	ssyncadd.s32 @!p0 $0xFFFF63C0  }
0x17: {  	[bflag:$0x0] =	sbarrier.arrive $0xFFFF  }
0x18: {  	[tilespmem:s9], [sflag:$0x1] =	stream.linear.gather [hbm4b:s6+s2], $0x80, $0x38;
	[tilespmem:$0x5EA0] =	vst v63  }
0x19: {  	_ =	swait.ge [sflag:s10], $0x80  }
0x1a: {  	s16 =	simm.s32 @!p0 $0x28;
	[sflag:s10] =	ssyncset.done $0x0  }
0x1b: {  	s16 =	simm.s32 @p0 $0x27;
	[sflag:s10] =	ssyncadd.s32 $0xFFFFFF80  }
0x1c: {  	[tilespmem:s11], [sflag:$0x1] =	stream.linear.gather [hbm4b:s7+s2], $0x1000, $0x38;
	[tilespmem:$0x5EA0] =	vst v63  }
0x1d: {  	p1 =	sne.s32 s16, $0x1;
	_ =	swait.ge [sflag:s10], $0x1000  }
.Ltmp0:
0x1e: {  	[sflag:s10] =	ssyncset.done $0x0;
	(pc) =	sbr.rel @!p1 .LBB2_3-.Ltmp0, $4  }
0x1f: {  	[sflag:s10] =	ssyncadd.s32 $0xFFFFF000  }
0x20: {  	[spmem:s1] =	stream.indirect.scatter.add.f32 [tilespmem:s11], [sflag:$0x1], $0x20, s9, s12, $0xb8;
	[tilespmem:$0x5EA0] =	vst v63  }
0x21: {  	s17 =	smov.u32 s6;
	_ =	swait.ge [sflag:s10], $0x1000  }
0x22: {  	s18 =	smov.u32 s7;
	s16 =	sadd.s32 $0xFFFFFFFF, s16;
	[sflag:s10] =	ssyncset.done $0x0  }
.LBB2_2:
0x23: {  	[sflag:s10] =	ssyncadd.s32 $0xFFFFF000;
	s17 =	sadd.s32 $0x200, s17;
	s18 =	sadd.s32 $0x4000, s18  }
0x24: {  	[tilespmem:s9], [sflag:$0x1] =	stream.linear.gather [hbm4b:s17+s2], $0x80, $0x38;
	[tilespmem:$0x5EA0] =	vst v63  }
0x25: {  	p1 =	sne.s32 s16, $0x1;
	s16 =	sadd.s32 $0xFFFFFFFF, s16;
	_ =	swait.ge [sflag:s10], $0x80  }
0x26: {  	[sflag:s10] =	ssyncset.done $0x0  }
0x27: {  	[sflag:s10] =	ssyncadd.s32 $0xFFFFFF80  }
0x28: {  	[tilespmem:s11], [sflag:$0x1] =	stream.linear.gather [hbm4b:s18+s2], $0x1000, $0x38;
	[tilespmem:$0x5EA0] =	vst v63  }
0x29: {  	_ =	swait.ge [sflag:s10], $0x1000  }
.Ltmp1:
0x2a: {  	[sflag:s10] =	ssyncset.done $0x0;
	(pc) =	sbr.rel @p1 .LBB2_2-.Ltmp1, $4  }
0x2b: {  	[sflag:s10] =	ssyncadd.s32 $0xFFFFF000  }
0x2c: {  	[spmem:s1] =	stream.indirect.scatter.add.f32 [tilespmem:s11], [sflag:$0x1], $0x20, s9, s12, $0xb8;
	[tilespmem:$0x5EA0] =	vst v63  }
0x2d: {  	_ =	swait.ge [sflag:s10], $0x1000  }
0x2e: {  	[sflag:s10] =	ssyncset.done $0x0  }
.LBB2_3:
0x2f: {  	s15 =	sadd.s32 $0x1, s15  }
0x30: {  	[sflag:s10] =	ssyncadd.s32 $0xFFFFF000;
	p1 =	sne.s32 s15, s5  }
.Ltmp2:
0x31: {  	[bflag:$0x0] =	sbarrier.arrive $0xFFFF;
	(pc) =	sbr.rel @p1 .LBB2_1-.Ltmp2, $4  }
0x32: {  	[hbm:s4], [sflag:s13] =	dma.local [spmem:s14], $0x9C4  }
0x33: {  	_ =	swait.ge [sflag:s10], $0x9C4  }
0x34: {  	[sflag:s10] =	ssyncset.done $0x0  }
0x35: {  	[sflag:s10] =	ssyncadd.s32 $0xFFFFF63C  }
0x36: {  	_ =	sfence.sel $0x180000  }
0x37: {  	[bflag:$0x0] =	sbarrier.arrive $0xFFFF  }
0x38: {  	_ =	strace $0x90000050  }
0x39: {  	s0 =	sadd.s32 @!p0 $0x100000, s0;
	[bflag:$0x2] =	sbarrier.arrive $0xFFFF  }
0x3a: {  	[sflag:s0] =	ssyncadd.tile.s32 @!p0 $0x1;
	_ =	shalt  }
.Lfunc_end2:
_tile_overlayer_lowered:
.L_overlay_start_2:
0x3b: {  	(tag) =	ssettag $0x2  }
0x3c: {  	s0 =	rddreg [dreg:$0x0];
	s2 =	stileid.u32  }
0x3d: {  	s1 =	rddreg [dreg:$0x1];
	p0 =	sne.s32 s2, $0x0  }
0x3e: {  	s3 =	rddreg [dreg:$0x2];
	[bflag:$0x3] =	sbarrier.arrive $0xFFFF;
	s2 =	simm.s32 @!p0 $0x1C01  }
0x3f: {  	[timem:s3], [sflag:s2] =	dma.local @!p0 [hbm:s0], s1  }
0x40: {  	s0 =	simm.s32 @!p0 $0x1  }
0x41: {  	_ =	swait.ge @!p0 [sflag:s0], s1  }
0x42: {  	s1 =	ssub.s32 @!p0 $0x0, s1;
	[sflag:s0] =	ssyncset.done @!p0 $0x0  }
0x43: {  	[sflag:s0] =	ssyncadd.s32 @!p0 s1  }
0x44: {  	[bflag:$0x3] =	sbarrier.arrive $0xFFFF  }
0x45: {  	_ =	shalt  }

// kernel: kernel.22.cloned.1.call-start
scs
__scs_entry_jumppad:
0x0: {  	(pc) =	sbr.rel $0x88, $3  }
0x1: {  	(tag) =	ssettag $0x0;
	lr =	simm.s32 $0x1  }
0x2: {  	[smem:$0x3F70] =	sst lr;
	_ =	strace $0xD0000000  }
0x3: {  	_ = 	snop  }
0x4: {  	_ = 	snop  }
0x5: {  	_ = 	snop  }
0x6: {  	_ = 	snop  }
0x7: {  	_ = 	snop  }
__scs_overlays_trampoline_lowered:
0x8: {  	[smem:$0x3F7F] =	sst s0  }
0x9: {  	[smem:$0x3F80] =	sst s1  }
0xa: {  	[smem:$0x3F81] =	sst s2  }
0xb: {  	[smem:$0x3F82] =	sst s3  }
0xc: {  	[smem:$0x3F83] =	sst s4  }
0xd: {  	[smem:$0x3F84] =	sst s5  }
0xe: {  	[smem:$0x3F85] =	sst s6  }
0xf: {  	[smem:$0x3F86] =	sst s7  }
0x10: {  	[smem:$0x3F87] =	sst s8  }
0x11: {  	[smem:$0x3F88] =	sst s9;
	s0 =	simm.s32 @!p0 $0x0  }
0x12: {  	s1 =	sld [smem:$0x3F6E];
	s0 =	simm.s32 @p0 $0x1  }
0x13: {  	[smem:$0x3F89] =	sst s0;
	s0 =	simm.s32 @!p1 $0x0  }
0x14: {  	s2 =	sld [smem:$0x3F6D];
	s0 =	simm.s32 @p1 $0x1  }
0x15: {  	[smem:$0x3F8A] =	sst s0;
	s0 =	simm.s32 @!p2 $0x0  }
0x16: {  	s3 =	sld [smem:$0x3FDB];
	s0 =	simm.s32 @p2 $0x1  }
0x17: {  	s4 =	simm.s32 $0x1BF5;
	[smem:$0x3F8C] =	sst s0  }
0x18: {  	s0 =	sld [smem:$0x3F6F];
	_ =	swait.ge [sflag:s4], $0x0  }
0x19: {  	s7 =	sld [smem:$0x3F70]  }
0x1a: {  	s8 =	sadd.s32 $0xFFFFE003, lr  }
0x1b: {  	s9 =	sadd.s32 $0xFFFFFEF7, lr;
	s5 =	simm.s32 $0xFFFFFFFF;
	p2 =	slt.u32 s8, $0xFFFFF086  }
0x1c: {  	p1 =	slt.u32 s9, $0xF7A;
	s5 =	simm.s32 @!p2 $0x0  }
0x1d: {  	s5 =	simm.s32 @p1 $0x1;
	p0 =	seq.s32 s7, s2  }
0x1e: {  	s7 =	smul.u32 @!p0 $0xF7A, s2;
	p2 =	seq.s32 @!p0 s5, $0x0  }
0x1f: {  	s9 =	smul.u32 $0xF7A, s1;
	s8 =	simm.s32 @!p0 $0x1BF5;
	p2 =	por !p2, p0  }
0x20: {  	[sflag:s8] =	ssyncset.s32 @!p0 $0xFFFFF086;
	s6 =	sadd.s32 @!p0 s3, s7;
	s7 =	simm.s32 @!p0 $0x108  }
0x21: {  	s3 =	sadd.s32 s3, s9;
	s6 =	sadd.s32 @!p0 $0x88, s6;
	s7 =	simm.s32 @p2 $0x1082  }
0x22: {  	[simem:s7], [sflag:s8] =	dma.local @!p0 [hbm:s6], $0xF7A  }
0x23: {  	s9 =	sor.u32 $0xD0000000, s2;
	s6 =	simm.s32 $0x108;
	_ =	swait.ge @!p0 [sflag:s8], $0x0  }
0x24: {  	s3 =	sadd.s32 $0x88, s3;
	s6 =	simm.s32 @!p1 $0x1082;
	[sflag:s4] =	ssyncset.s32 $0xFFFFF086  }
0x25: {  	[simem:s6], [sflag:s4] =	dma.local [hbm:s3], $0xF7A  }
0x26: {  	[smem:$0x3F70] =	sst s1;
	(tag) =	ssettag s2;
	_ =	strace s9  }
0x27: {  	s1 =	sld [smem:$0x3F80]  }
0x28: {  	s2 =	sld [smem:$0x3F81]  }
0x29: {  	s4 =	sld [smem:$0x3F83]  }
0x2a: {  	p0 =	seq.s32 s5, $0x0;
	s5 =	sld [smem:$0x3F84]  }
0x2b: {  	s6 =	sld [smem:$0x3F85]  }
0x2c: {  	s7 =	sld [smem:$0x3F86]  }
0x2d: {  	s3 =	simm.s32 $0x108;
	s8 =	sld [smem:$0x3F87]  }
0x2e: {  	s3 =	simm.s32 @!p0 $0x1082;
	s9 =	sld [smem:$0x3F88]  }
0x2f: {  	lr =	sadd.s32 s0, s3;
	s0 =	sld [smem:$0x3F7F]  }
0x30: {  	s3 =	sld [smem:$0x3F82]  }
0x31: {  	[smem:$0x3F8B] =	sst s10  }
0x32: {  	s10 =	sld [smem:$0x3F89];
	_ =	sdelay $0x3  }
0x33: {  	p0 =	seq.s32 s10, $0x1;
	s10 =	sld [smem:$0x3F8B];
	_ =	sdelay $0x3  }
0x34: {  	[smem:$0x3F8B] =	sst s10  }
0x35: {  	s10 =	sld [smem:$0x3F8A];
	_ =	sdelay $0x3  }
0x36: {  	p1 =	seq.s32 s10, $0x1;
	s10 =	sld [smem:$0x3F8B];
	_ =	sdelay $0x3  }
0x37: {  	[smem:$0x3F8B] =	sst s10  }
0x38: {  	s10 =	sld [smem:$0x3F8C]  }
0x39: {  	_ = 	snop;
	(pc) =	sbr.ind lr, $3  }
0x3a: {  	_ = 	snop  }
0x3b: {  	_ = 	snop  }
0x3c: {  	p2 =	seq.s32 s10, $0x1;
	s10 =	sld [smem:$0x3F8B]  }
0x3d: {  	_ =	shalt  }
0x3e: {  	_ =	shalt  }
0x3f: {  	_ =	shalt  }
0x40: {  	_ =	shalt  }
0x41: {  	_ =	shalt  }
0x42: {  	_ =	shalt  }
0x43: {  	_ =	shalt  }
0x44: {  	_ =	shalt  }
0x45: {  	_ =	shalt  }
0x46: {  	_ =	shalt  }
0x47: {  	_ =	shalt  }
0x48: {  	_ =	shalt  }
0x49: {  	_ =	shalt  }
0x4a: {  	_ =	shalt  }
0x4b: {  	_ =	shalt  }
0x4c: {  	_ =	shalt  }
0x4d: {  	_ =	shalt  }
0x4e: {  	_ =	shalt  }
0x4f: {  	_ =	shalt  }
0x50: {  	_ =	shalt  }
0x51: {  	_ =	shalt  }
0x52: {  	_ =	shalt  }
0x53: {  	_ =	shalt  }
0x54: {  	_ =	shalt  }
0x55: {  	_ =	shalt  }
0x56: {  	_ =	shalt  }
0x57: {  	_ =	shalt  }
0x58: {  	_ =	shalt  }
0x59: {  	_ =	shalt  }
0x5a: {  	_ =	shalt  }
0x5b: {  	_ =	shalt  }
0x5c: {  	_ =	shalt  }
0x5d: {  	_ =	shalt  }
0x5e: {  	_ =	shalt  }
0x5f: {  	_ =	shalt  }
0x60: {  	_ =	shalt  }
0x61: {  	_ =	shalt  }
0x62: {  	_ =	shalt  }
0x63: {  	_ =	shalt  }
0x64: {  	_ =	shalt  }
0x65: {  	_ =	shalt  }
0x66: {  	_ =	shalt  }
0x67: {  	_ =	shalt  }
0x68: {  	_ =	shalt  }
0x69: {  	_ =	shalt  }
0x6a: {  	_ =	shalt  }
0x6b: {  	_ =	shalt  }
0x6c: {  	_ =	shalt  }
0x6d: {  	_ =	shalt  }
0x6e: {  	_ =	shalt  }
0x6f: {  	_ =	shalt  }
0x70: {  	_ =	shalt  }
0x71: {  	_ =	shalt  }
0x72: {  	_ =	shalt  }
0x73: {  	_ =	shalt  }
0x74: {  	_ =	shalt  }
0x75: {  	_ =	shalt  }
0x76: {  	_ =	shalt  }
0x77: {  	_ =	shalt  }
0x78: {  	_ =	shalt  }
0x79: {  	_ =	shalt  }
0x7a: {  	_ =	shalt  }
0x7b: {  	_ =	shalt  }
0x7c: {  	_ =	shalt  }
0x7d: {  	_ =	shalt  }
0x7e: {  	_ =	shalt  }
0x7f: {  	_ =	shalt  }
0x80: {  	_ =	shalt  }
0x81: {  	_ =	shalt  }
0x82: {  	_ =	shalt  }
0x83: {  	_ =	shalt  }
0x84: {  	_ =	shalt  }
0x85: {  	_ =	shalt  }
0x86: {  	_ =	shalt  }
0x87: {  	_ =	shalt  }
.Lfunc_end0:
.L_simem_size_0:
called_computation.3_lowered:
.L_overlay_start_0:
0x88: {  	s2 =	sld [smem:$0x3FD9]  }
0x89: {  	s3 =	sld [smem:$0x3FFE];
	_ =	sdelay $0x1  }
0x8a: {  	s1 =	srdreg.scid  }
0x8b: {  	s0 =	sand.u32 $0x1, s1  }
0x8c: {  	s17 =	sshll.u32 s0, $0xA;
	s2 =	sadd.s32 s3, s2  }
0x8d: {  	s2 =	sadd.s32 s2, s17  }
0x8e: {  	[smem:$0x3F97] =	sst s2  }
0x8f: {  	_ = 	snop  }
0x90: {  	(tm) =	ssettm $0x1  }
0x91: {  	s18 =	sld [smem:$0x3FFB];
	_ =	sdelay $0x3  }
0x92: {  	_ =	strace s18  }
0x93: {  	s2 =	sld [smem:$0x3FFC];
	_ =	sdelay $0x3  }
0x94: {  	_ =	strace s2  }
0x95: {  	s2 =	sld [smem:$0x3FFD];
	_ =	sdelay $0x3  }
0x96: {  	_ =	strace s2  }
0x97: {  	_ =	strace $0x8FFFFFFF  }
0x98: {  	s19 =	sld [smem:$0x3FDB];
	_ =	sdelay $0x1  }
0x99: {  	s20 =	simm.s32 $_scs_section_size  }
0x9a: {  	s4 =	simm.s32 $_size__tile_overlayer_lowered;
	s5 =	simm.s32 $_tile_overlayer_lowered  }
0x9b: {  	s6 =	simm.s32 $0x1BFF;
	s21 =	sshll.u32 s5, $0x1;
	s3 =	sadd.s32 s20, s19  }
0x9c: {  	s22 =	simm.s32 $0x0;
	s4 =	sshll.u32 s4, $0x1;
	s5 =	sadd.s32 s21, s3  }
0x9d: {  	[timem:s22], [sflag:s6] =	dma.local [hbm:s5], s4  }
0x9e: {  	_ =	swait.ge [sflag:s6], s4  }
0x9f: {  	s4 =	ssub.s32 $0x0, s4;
	[sflag:s6] =	ssyncset.done $0x0  }
0xa0: {  	[sflag:s6] =	ssyncadd.s32 s4;
	_ =	sdelay $0x1  }
0xa1: {  	s23 =	simm.s32 $0x1B8B  }
0xa2: {  	_ =	swait.ge [sflag:s23], $0x1  }
0xa3: {  	[sflag:s23] =	ssyncset.done $0x0  }
0xa4: {  	[sflag:s23] =	ssyncadd.s32 $0xFFFFFFFF  }
0xa5: {  	s4 =	sld [smem:$0x0]  }
0xa6: {  	s5 =	sand.u32 $0xFFFFFFFE, s1  }
0xa7: {  	p0 =	sne.s32 s1, s5  }
0xa8: {  	s5 =	sshll.u32 @p0 s5, $0xE  }
0xa9: {  	s5 =	sadd.s32 @p0 $0x11B8D, s5;
	s6 =	sshll.u32 @p0 s4, $0x11  }
0xaa: {  	s5 =	sor.u32 @p0 s6, s5  }
0xab: {  	[sflag:s5] =	ssyncadd.remote.s32 @p0 $0x1;
	_ =	sdelay $0x1  }
0xac: {  	s5 =	simm.s32 @p0 $0x1B8D  }
0xad: {  	_ =	swait.eq @p0 [sflag:s5], $0x1  }
0xae: {  	[sflag:s5] =	ssyncadd.s32 @p0 $0xFFFFFFFF  }
0xaf: {  	s6 =	sshll.u32 @!p0 s1, $0xE  }
0xb0: {  	s6 =	sor.u32 @!p0 $0x4000, s6;
	s5 =	simm.s32 @!p0 $0x1B8D  }
0xb1: {  	s4 =	sshll.u32 @!p0 s4, $0x11;
	s6 =	sadd.s32 @!p0 $0x11B8D, s6;
	_ =	swait.eq @!p0 [sflag:s5], $0x1  }
0xb2: {  	s4 =	sor.u32 @!p0 s4, s6;
	[sflag:s5] =	ssyncadd.s32 @!p0 $0xFFFFFFFF  }
0xb3: {  	s25 =	simm.s32 $0x1B8E;
	s24 =	sld [smem:$0x3FFE];
	[sflag:s4] =	ssyncadd.remote.s32 @!p0 $0x1  }
0xb4: {  	s26 =	simm.s32 $execute0_lowered;
	[smem:$0x3FD2] =	sst s25  }
0xb5: {  	s5 =	sshll.u32 s26, $0x1;
	_ =	strace $0x8000004C;
	[dreg:$0x1] =	wrdreg $0xFFFFFFFF  }
0xb6: {  	s28 =	simm.s32 $_size_execute0_lowered;
	s3 =	sadd.s32 s3, s5;
	[dreg:$0x0] =	wrdreg $0x0  }
0xb7: {  	s5 =	sshll.u32 s28, $0x1;
	[dreg:$0x2] =	wrdreg s3  }
0xb8: {  	[dreg:$0x3] =	wrdreg s5  }
0xb9: {  	[dreg:$0x4] =	wrdreg $0xC0  }
0xba: {  	_ =	task [dreg:s22], $0x5FFFF  }
0xbb: {  	[dreg:$0x1] =	wrdreg $0xFFFFFFFF  }
0xbc: {  	[dreg:$0x0] =	wrdreg $0x60  }
0xbd: {  	[dreg:$0x2] =	wrdreg s24  }
0xbe: {  	[dreg:$0x3] =	wrdreg $0x0  }
0xbf: {  	[dreg:$0x4] =	wrdreg $0xA  }
0xc0: {  	_ =	task.clear_ibuf [dreg:s22], $0x5FFFF;
	_ =	strace $0x9000004C  }
0xc1: {  	s29 =	simm.s32 $0xA;
	_ =	strace $0x8000004E  }
0xc2: {  	_ =	swait.ge [sflag:s29], $0x1  }
0xc3: {  	[sflag:s29] =	ssyncadd.s32 $0xFFFFFFFF  }
0xc4: {  	_ =	strace $0x9000004E  }
0xc5: {  	_ =	sfence  }
0xc6: {  	s30 =	sld [smem:$0x0];
	_ =	sdelay $0x2  }
0xc7: {  	s31 =	sshll.u32 s1, $0xD;
	s1 =	sshrl.u32 s1, $0x2  }
0xc8: {  	s4 =	sand.u32 $0x4000, s31;
	s1 =	sadd.s32 s1, s30  }
0xc9: {  	s0 =	sor.u32 s4, s0;
	s1 =	sshll.u32 s1, $0x11  }
0xca: {  	s0 =	sor.u32 s1, s0  }
0xcb: {  	s0 =	sadd.s32 $0x8F2B, s0  }
0xcc: {  	[sflag:s0] =	ssyncadd.remote.s32 $0x1  }
0xcd: {  	_ =	sfence.sel $0xFFFF  }
0xce: {  	[dreg:$0x0] =	wrdreg $0xFFFFFFFF;
	(pc) =	sbr.abs _section_cstart, $3  }
0xcf: {  	[dreg:$0x1] =	wrdreg $0xFFFFFFFF  }
0xd0: {  	_ =	task.clear_ibuf [dreg:s22], $0x2FFFF;
	_ =	strace $0x9FFFFFFF  }
0xd1: {  	(tm) =	ssettm $0x7FFFFFFF  }
tec
execute0_lowered:
.L_overlay_start_1:
0x0: {  	(tag) =	ssettag $0x1  }
0x1: {  	s4 =	rddreg [dreg:$0x0]  }
0x2: {  	s1 =	rddreg [dreg:$0x1]  }
0x3: {  	s0 =	rddreg [dreg:$0x2]  }
0x4: {  	s2 =	simm.s32 $0x0;
	s3 =	srdreg.scid;
	s13 =	stileid.u32  }
0x5: {  	s11 =	simm.s32 $0x4EA0;
	s12 =	simm.s32 $0x80;
	s15 =	simm.s32 $0x0  }
0x6: {  	[smem:$0x7FF] =	sst s2;
	s5 =	sand.u32 $0x1, s3;
	s6 =	sshll.u32 s13, $0x8  }
0x7: {  	s8 =	smul.u32 $0x4E20, s13;
	s9 =	sshll.u32 s13, $0xA;
	p0 =	sne.s32 s13, $0x0  }
0x8: {  	s13 =	sshll.u32 s13, $0x6;
	s3 =	smul.u32 $0x4E200, s5;
	s7 =	sshll.u32 s5, $0x7  }
0x9: {  	_ =	strace $0x8000004D;
	s28 =	sadd.s32 s9, s4;
	s10 =	ssub.s32 $0x2, s5  }
0xa: {  	s31 =	sshll.u32 s5, $0x9;
	s13 =	sor.u32 $0x1C01, s13;
	s6 =	sor.u32 s7, s6  }
0xb: {  	s30 =	sshrl.u32 s10, $0x1;
	s14 =	sadd.s32 s8, s1;
	s7 =	sadd.s32 s31, s28  }
0xc: {  	s6 =	sshrl.u32 s6, $0x3;
	s3 =	sadd.s32 s8, s3;
	s9 =	ssub.s32 s10, s30  }
0xd: {  	s7 =	sadd.s32 $0x6A200, s7;
	s8 =	sshrl.u32 @!p0 s1, $0x3;
	s10 =	simm.s32 $0x1  }
0xe: {  	s14 =	sshrl.u32 s14, $0x3;
	s6 =	sadd.s32 s6, s4;
	s29 =	sshrl.u32 s3, $0x3  }
0xf: {  	s3 =	sadd.s32 $0x56400, s4;
	s5 =	smax.u32 s9, $0x1;
	s4 =	sadd.s32 s29, s4  }
0x10: {  	s9 =	simm.s32 $0x4E20;
	s6 =	sadd.s32 $0x65200, s6;
	s4 =	sadd.s32 $0x1B6800, s4  }
.LBB2_1:
0x11: {  	s16 =	simm.s32 @!p0 $0x1C01  }
0x12: {  	[spmem:s8], [sflag:s16] =	dma.local @!p0 [hbm:s3], $0x9C40  }
0x13: {  	s16 =	simm.s32 @!p0 $0x1  }
0x14: {  	_ =	swait.ge @!p0 [sflag:s16], $0x9C40  }
0x15: {  	[sflag:s16] =	ssyncset.done @!p0 $0x0  }
0x16: {  	[sflag:s16] =	ssyncadd.s32 @!p0 $0xFFFF63C0  }
0x17: {  	[bflag:$0x0] =	sbarrier.arrive $0xFFFF  }
0x18: {  	[tilespmem:s9], [sflag:$0x1] =	stream.linear.gather [hbm4b:s6+s2], $0x80, $0x38;
	[tilespmem:$0x5EA0] =	vst v63  }
0x19: {  	_ =	swait.ge [sflag:s10], $0x80  }
0x1a: {  	s16 =	simm.s32 @!p0 $0x28;
	[sflag:s10] =	ssyncset.done $0x0  }
0x1b: {  	s16 =	simm.s32 @p0 $0x27;
	[sflag:s10] =	ssyncadd.s32 $0xFFFFFF80  }
0x1c: {  	[tilespmem:s11], [sflag:$0x1] =	stream.linear.gather [hbm4b:s7+s2], $0x1000, $0x38;
	[tilespmem:$0x5EA0] =	vst v63  }
0x1d: {  	p1 =	sne.s32 s16, $0x1;
	_ =	swait.ge [sflag:s10], $0x1000  }
.Ltmp0:
0x1e: {  	[sflag:s10] =	ssyncset.done $0x0;
	(pc) =	sbr.rel @!p1 .LBB2_3-.Ltmp0, $4  }
0x1f: {  	[sflag:s10] =	ssyncadd.s32 $0xFFFFF000  }
0x20: {  	[spmem:s1] =	stream.indirect.scatter.add.f32 [tilespmem:s11], [sflag:$0x1], $0x20, s9, s12, $0xb8;
	[tilespmem:$0x5EA0] =	vst v63  }
0x21: {  	s17 =	smov.u32 s6;
	_ =	swait.ge [sflag:s10], $0x1000  }
0x22: {  	s18 =	smov.u32 s7;
	s16 =	sadd.s32 $0xFFFFFFFF, s16;
	[sflag:s10] =	ssyncset.done $0x0  }
.LBB2_2:
0x23: {  	[sflag:s10] =	ssyncadd.s32 $0xFFFFF000;
	s17 =	sadd.s32 $0x200, s17;
	s18 =	sadd.s32 $0x4000, s18  }
0x24: {  	[tilespmem:s9], [sflag:$0x1] =	stream.linear.gather [hbm4b:s17+s2], $0x80, $0x38;
	[tilespmem:$0x5EA0] =	vst v63  }
0x25: {  	p1 =	sne.s32 s16, $0x1;
	s16 =	sadd.s32 $0xFFFFFFFF, s16;
	_ =	swait.ge [sflag:s10], $0x80  }
0x26: {  	[sflag:s10] =	ssyncset.done $0x0  }
0x27: {  	[sflag:s10] =	ssyncadd.s32 $0xFFFFFF80  }
0x28: {  	[tilespmem:s11], [sflag:$0x1] =	stream.linear.gather [hbm4b:s18+s2], $0x1000, $0x38;
	[tilespmem:$0x5EA0] =	vst v63  }
0x29: {  	_ =	swait.ge [sflag:s10], $0x1000  }
.Ltmp1:
0x2a: {  	[sflag:s10] =	ssyncset.done $0x0;
	(pc) =	sbr.rel @p1 .LBB2_2-.Ltmp1, $4  }
0x2b: {  	[sflag:s10] =	ssyncadd.s32 $0xFFFFF000  }
0x2c: {  	[spmem:s1] =	stream.indirect.scatter.add.f32 [tilespmem:s11], [sflag:$0x1], $0x20, s9, s12, $0xb8;
	[tilespmem:$0x5EA0] =	vst v63  }
0x2d: {  	_ =	swait.ge [sflag:s10], $0x1000  }
0x2e: {  	[sflag:s10] =	ssyncset.done $0x0  }
.LBB2_3:
0x2f: {  	s15 =	sadd.s32 $0x1, s15  }
0x30: {  	[sflag:s10] =	ssyncadd.s32 $0xFFFFF000;
	p1 =	sne.s32 s15, s5  }
.Ltmp2:
0x31: {  	[bflag:$0x0] =	sbarrier.arrive $0xFFFF;
	(pc) =	sbr.rel @p1 .LBB2_1-.Ltmp2, $4  }
0x32: {  	[hbm:s4], [sflag:s13] =	dma.local [spmem:s14], $0x9C4  }
0x33: {  	_ =	swait.ge [sflag:s10], $0x9C4  }
0x34: {  	[sflag:s10] =	ssyncset.done $0x0  }
0x35: {  	[sflag:s10] =	ssyncadd.s32 $0xFFFFF63C  }
0x36: {  	_ =	sfence.sel $0x180000  }
0x37: {  	[bflag:$0x0] =	sbarrier.arrive $0xFFFF  }
0x38: {  	_ =	strace $0x9000004D  }
0x39: {  	s0 =	sadd.s32 @!p0 $0x100000, s0;
	[bflag:$0x2] =	sbarrier.arrive $0xFFFF  }
0x3a: {  	[sflag:s0] =	ssyncadd.tile.s32 @!p0 $0x1;
	_ =	shalt  }
.Lfunc_end2:
_tile_overlayer_lowered:
.L_overlay_start_2:
0x3b: {  	(tag) =	ssettag $0x2  }
0x3c: {  	s0 =	rddreg [dreg:$0x0];
	s2 =	stileid.u32  }
0x3d: {  	s1 =	rddreg [dreg:$0x1];
	p0 =	sne.s32 s2, $0x0  }
0x3e: {  	s3 =	rddreg [dreg:$0x2];
	[bflag:$0x3] =	sbarrier.arrive $0xFFFF;
	s2 =	simm.s32 @!p0 $0x1C01  }
0x3f: {  	[timem:s3], [sflag:s2] =	dma.local @!p0 [hbm:s0], s1  }
0x40: {  	s0 =	simm.s32 @!p0 $0x1  }
0x41: {  	_ =	swait.ge @!p0 [sflag:s0], s1  }
0x42: {  	s1 =	ssub.s32 @!p0 $0x0, s1;
	[sflag:s0] =	ssyncset.done @!p0 $0x0  }
0x43: {  	[sflag:s0] =	ssyncadd.s32 @!p0 s1  }
0x44: {  	[bflag:$0x3] =	sbarrier.arrive $0xFFFF  }
0x45: {  	_ =	shalt  }

</sc_bundles>
